<compile_context>
chip_gen: v7x
topology: tpu7x:2x2x1
jax: 0.10.2.dev20260603
libtpu: 0.0.44.dev20260713+nightly
codegen_flags: <defaults>
</compile_context>

<pallas_src>
import functools

import jax
import jax.numpy as jnp
from jax import lax
from jax.experimental import pallas as pl
from jax.experimental.pallas import tpu as pltpu
from jax.experimental.pallas import tpu_sc as plsc

VOCAB = 1000000
EMBED_DIM = 32
BATCH = 16384
HIST = 50

NBUF = 8
LOOKAHEAD = 6


def _make_kernel(n_workers: int, nc: int):
    nstep = BATCH // n_workers
    mesh = plsc.VectorSubcoreMesh(core_axis_name="c", subcore_axis_name="s")

    @functools.partial(
        pl.kernel,
        out_type=jax.ShapeDtypeStruct((BATCH, HIST, EMBED_DIM), jnp.float32),
        mesh=mesh,
        scratch_types=[
            pltpu.VMEM((nstep, HIST), jnp.int32),
            pltpu.VMEM((NBUF, HIST, EMBED_DIM), jnp.float32),
            pltpu.SemaphoreType.DMA((NBUF,)),
            pltpu.SemaphoreType.DMA((NBUF,)),
        ],
        compiler_params=pltpu.CompilerParams(use_tc_tiling_on_sc=False),
    )
    def k(idx_hbm, table_hbm, out_hbm, idx_v, rows_v, gsem, wsem):
        wid = lax.axis_index("s") * nc + lax.axis_index("c")
        base = wid * nstep
        pltpu.sync_copy(idx_hbm.at[pl.ds(base, nstep)], idx_v)

        for b in range(LOOKAHEAD):
            pltpu.async_copy(table_hbm.at[idx_v.at[b]], rows_v.at[b],
                             gsem.at[b])

        def block(j0, carry):
            for b in range(NBUF):
                j = j0 + b
                jn = j + LOOKAHEAD
                bn = (b + LOOKAHEAD) % NBUF

                @pl.when(jn < nstep)
                def _():
                    @pl.when(jn >= NBUF)
                    def _():
                        pltpu.make_async_copy(
                            rows_v.at[bn], out_hbm.at[base],
                            wsem.at[bn]).wait()
                    pltpu.async_copy(table_hbm.at[idx_v.at[jn]],
                                     rows_v.at[bn], gsem.at[bn])

                pltpu.make_async_copy(
                    table_hbm.at[idx_v.at[j]], rows_v.at[b],
                    gsem.at[b]).wait()
                pltpu.async_copy(rows_v.at[b], out_hbm.at[base + j],
                                 wsem.at[b])
            return carry

        lax.fori_loop(0, nstep // NBUF, lambda i, c: block(i * NBUF, c), 0)

        for b in range(NBUF):
            pltpu.make_async_copy(rows_v.at[b], out_hbm.at[base],
                                  wsem.at[b]).wait()

    return k


def kernel(input, table):
    info = plsc.get_sparse_core_info()
    n_workers = info.num_cores * info.num_subcores
    tblp = jnp.pad(table, ((0, 0), (0, 128 - EMBED_DIM)))
    return _make_kernel(n_workers, info.num_cores)(
        input.astype(jnp.int32) * 4,
        tblp.reshape(4 * VOCAB, EMBED_DIM))

# --- scband reference (transcript-rebuilt; emitter-appended) ---
"""Pipeline reference for scband-embedding-20126216749993 (READ-ONLY COPY).

The authoritative reference and input builder live on the scoring server;
editing this copy changes nothing except your own understanding.
"""

import jax, jax.numpy as jnp
import numpy as np

VOCAB = 1000000
EMBED_DIM = 32
BATCH = 16384
HIST = 50

def setup_inputs(seed: int = 0) -> dict:
    key = jax.random.key(seed)
    k_idx, k_tab = jax.random.split(key)
    indices = jax.random.randint(k_idx, (BATCH, HIST), 0, VOCAB, dtype=jnp.int64 if jax.config.jax_enable_x64 else jnp.int32)
    table = jax.random.normal(k_tab, (VOCAB, EMBED_DIM), dtype=jnp.float32) * 0.02
    return {"input": indices, "table": table}

def reference(input, table):
    # keras.layers.Embedding lookup: gather rows of the table.
    # mask_zero=True only produces a boolean mask for downstream layers; the
    # returned embedding values are identical to a plain gather.
    out = jnp.take(table, input, axis=0)
    return out

if __name__ == "__main__":
    import jax
    _d = setup_inputs()
    print(jax.jit(kernel)(*tuple(_d.values())))

</pallas_src>

<mosaic_0001>
#map = affine_map<(d0, d1) -> (0, 0)>
#map1 = affine_map<(d0, d1) -> (0, 0, 0)>
module attributes {stable_mosaic.version = 14 : i64} {
  func.func @k(%arg0: i32, %arg1: i32, %arg2: memref<16384x50xi32, #tpu.memory_space<hbm>>, %arg3: memref<4000000x32xf32, #tpu.memory_space<hbm>>, %arg4: memref<16384x50x32xf32, #tpu.memory_space<hbm>>, %arg5: memref<512x50xi32, #tpu.memory_space<vmem>>, %arg6: memref<8x50x32xf32, #tpu.memory_space<vmem>>, %arg7: memref<8x!tpu.dma_semaphore, #tpu.memory_space<semaphore_mem>>, %arg8: memref<8x!tpu.dma_semaphore, #tpu.memory_space<semaphore_mem>>) attributes {dimension_semantics = [#tpu.dimension_semantics<core_parallel>, #tpu.dimension_semantics<subcore_parallel>], iteration_bounds = array<i64: 2, 16>, scalar_prefetch = 0 : i64, scratch_operands = 4 : i64, tpu.core_type = #tpu.core_type<sc_vector_subcore>, window_params = [{transform_indices = #map}, {transform_indices = #map}, {transform_indices = #map1}]} {
    %mul3A = arith.constant 2 : i32
    %mul3A_0 = arith.muli %arg1, %mul3A : i32
    %add3A = arith.addi %mul3A_0, %arg0 : i32
    %mul3A_1 = arith.constant 512 : i32
    %mul3A_2 = arith.muli %add3A, %mul3A_1 : i32
    "tpu.region"() ({
      %run_scoped3A = tpu.sem_alloc : memref<!tpu.dma_semaphore, #tpu.memory_space<semaphore_mem>>
      %dma_start3A_256 = arith.constant 0 : i32
      %dma_start3A_257 = tpu.memref_slice %arg2[%mul3A_2, %dma_start3A_256] : memref<16384x50xi32, #tpu.memory_space<hbm>> -> memref<512x50xi32, #tpu.memory_space<hbm>>
      %dma_start3A_258 = arith.constant 0 : i32
      %dma_start3A_259 = tpu.memref_slice %arg2[%mul3A_2, %dma_start3A_258] : memref<16384x50xi32, #tpu.memory_space<hbm>> -> memref<512x50xi32, #tpu.memory_space<hbm>>
      tpu.enqueue_dma source(%dma_start3A_259 : memref<512x50xi32, #tpu.memory_space<hbm>>) target(%arg5 : memref<512x50xi32, #tpu.memory_space<vmem>>) target_semaphore(%run_scoped3A : memref<!tpu.dma_semaphore, #tpu.memory_space<semaphore_mem>>)
      %dma_wait3A_260 = arith.constant 0 : i32
      %dma_wait3A_261 = tpu.memref_slice %arg2[%mul3A_2, %dma_wait3A_260] : memref<16384x50xi32, #tpu.memory_space<hbm>> -> memref<512x50xi32, #tpu.memory_space<hbm>>
      %dma_wait3A_262 = arith.constant 0 : i32
      %dma_wait3A_263 = tpu.memref_slice %arg2[%mul3A_2, %dma_wait3A_262] : memref<16384x50xi32, #tpu.memory_space<hbm>> -> memref<512x50xi32, #tpu.memory_space<hbm>>
      tpu.wait_dma2 semaphore(%run_scoped3A : memref<!tpu.dma_semaphore, #tpu.memory_space<semaphore_mem>>) src(%dma_wait3A_263 : memref<512x50xi32, #tpu.memory_space<hbm>>) dst(%arg5 : memref<512x50xi32, #tpu.memory_space<vmem>>)
      tpu.yield
    }) : () -> ()
    %dma_start3A = arith.constant 0 : i32
    %dma_start3A_3 = arith.constant 0 : i32
    %dma_start3A_4 = arith.constant 0 : i32
    %dma_start3A_5 = arith.constant 0 : i32
    %dma_start3A_6 = arith.constant 0 : i32
    %dma_start3A_7 = tpu.memref_slice %arg6[%dma_start3A_3, %dma_start3A_5, %dma_start3A_6] : memref<8x50x32xf32, #tpu.memory_space<vmem>> -> memref<1x50x32xf32, #tpu.memory_space<vmem>>
    %dma_start3A_8 = tpu.memref_squeeze %dma_start3A_7 : memref<1x50x32xf32, #tpu.memory_space<vmem>> -> memref<50x32xf32, #tpu.memory_space<vmem>>
    %dma_start3A_9 = arith.constant 0 : i32
    %dma_start3A_10 = tpu.memref_slice %arg5[%dma_start3A, %dma_start3A_9] : memref<512x50xi32, #tpu.memory_space<vmem>> -> memref<1x50xi32, #tpu.memory_space<vmem>>
    %dma_start3A_11 = tpu.memref_squeeze %dma_start3A_10 : memref<1x50xi32, #tpu.memory_space<vmem>> -> memref<50xi32, #tpu.memory_space<vmem>>
    %dma_start3A_12 = arith.constant 0 : i32
    %dma_start3A_13 = arith.constant 0 : i32
    %dma_start3A_14 = tpu.memref_slice %arg3[%dma_start3A_12, %dma_start3A_13] : memref<4000000x32xf32, #tpu.memory_space<hbm>> -> memref<4000000x32xf32, #tpu.memory_space<hbm>>
    %dma_start3A_15 = tpu.memref_slice %arg7[%dma_start3A_4] : memref<8x!tpu.dma_semaphore, #tpu.memory_space<semaphore_mem>> -> memref<1x!tpu.dma_semaphore, #tpu.memory_space<semaphore_mem>>
    %dma_start3A_16 = tpu.memref_squeeze %dma_start3A_15 : memref<1x!tpu.dma_semaphore, #tpu.memory_space<semaphore_mem>> -> memref<!tpu.dma_semaphore, #tpu.memory_space<semaphore_mem>>
    tpu.enqueue_indirect_dma source(%dma_start3A_14 : memref<4000000x32xf32, #tpu.memory_space<hbm>>) target(%dma_start3A_8 : memref<50x32xf32, #tpu.memory_space<vmem>>) offsets(%dma_start3A_11 : memref<50xi32, #tpu.memory_space<vmem>>) semaphore(%dma_start3A_16 : memref<!tpu.dma_semaphore, #tpu.memory_space<semaphore_mem>>)
    %dma_start3A_17 = arith.constant 1 : i32
    %dma_start3A_18 = arith.constant 1 : i32
    %dma_start3A_19 = arith.constant 1 : i32
    %dma_start3A_20 = arith.constant 0 : i32
    %dma_start3A_21 = arith.constant 0 : i32
    %dma_start3A_22 = tpu.memref_slice %arg6[%dma_start3A_18, %dma_start3A_20, %dma_start3A_21] : memref<8x50x32xf32, #tpu.memory_space<vmem>> -> memref<1x50x32xf32, #tpu.memory_space<vmem>>
    %dma_start3A_23 = tpu.memref_squeeze %dma_start3A_22 : memref<1x50x32xf32, #tpu.memory_space<vmem>> -> memref<50x32xf32, #tpu.memory_space<vmem>>
    %dma_start3A_24 = arith.constant 0 : i32
    %dma_start3A_25 = tpu.memref_slice %arg5[%dma_start3A_17, %dma_start3A_24] : memref<512x50xi32, #tpu.memory_space<vmem>> -> memref<1x50xi32, #tpu.memory_space<vmem>>
    %dma_start3A_26 = tpu.memref_squeeze %dma_start3A_25 : memref<1x50xi32, #tpu.memory_space<vmem>> -> memref<50xi32, #tpu.memory_space<vmem>>
    %dma_start3A_27 = arith.constant 0 : i32
    %dma_start3A_28 = arith.constant 0 : i32
    %dma_start3A_29 = tpu.memref_slice %arg3[%dma_start3A_27, %dma_start3A_28] : memref<4000000x32xf32, #tpu.memory_space<hbm>> -> memref<4000000x32xf32, #tpu.memory_space<hbm>>
    %dma_start3A_30 = tpu.memref_slice %arg7[%dma_start3A_19] : memref<8x!tpu.dma_semaphore, #tpu.memory_space<semaphore_mem>> -> memref<1x!tpu.dma_semaphore, #tpu.memory_space<semaphore_mem>>
    %dma_start3A_31 = tpu.memref_squeeze %dma_start3A_30 : memref<1x!tpu.dma_semaphore, #tpu.memory_space<semaphore_mem>> -> memref<!tpu.dma_semaphore, #tpu.memory_space<semaphore_mem>>
    tpu.enqueue_indirect_dma source(%dma_start3A_29 : memref<4000000x32xf32, #tpu.memory_space<hbm>>) target(%dma_start3A_23 : memref<50x32xf32, #tpu.memory_space<vmem>>) offsets(%dma_start3A_26 : memref<50xi32, #tpu.memory_space<vmem>>) semaphore(%dma_start3A_31 : memref<!tpu.dma_semaphore, #tpu.memory_space<semaphore_mem>>)
    %dma_start3A_32 = arith.constant 2 : i32
    %dma_start3A_33 = arith.constant 2 : i32
    %dma_start3A_34 = arith.constant 2 : i32
    %dma_start3A_35 = arith.constant 0 : i32
    %dma_start3A_36 = arith.constant 0 : i32
    %dma_start3A_37 = tpu.memref_slice %arg6[%dma_start3A_33, %dma_start3A_35, %dma_start3A_36] : memref<8x50x32xf32, #tpu.memory_space<vmem>> -> memref<1x50x32xf32, #tpu.memory_space<vmem>>
    %dma_start3A_38 = tpu.memref_squeeze %dma_start3A_37 : memref<1x50x32xf32, #tpu.memory_space<vmem>> -> memref<50x32xf32, #tpu.memory_space<vmem>>
    %dma_start3A_39 = arith.constant 0 : i32
    %dma_start3A_40 = tpu.memref_slice %arg5[%dma_start3A_32, %dma_start3A_39] : memref<512x50xi32, #tpu.memory_space<vmem>> -> memref<1x50xi32, #tpu.memory_space<vmem>>
    %dma_start3A_41 = tpu.memref_squeeze %dma_start3A_40 : memref<1x50xi32, #tpu.memory_space<vmem>> -> memref<50xi32, #tpu.memory_space<vmem>>
    %dma_start3A_42 = arith.constant 0 : i32
    %dma_start3A_43 = arith.constant 0 : i32
    %dma_start3A_44 = tpu.memref_slice %arg3[%dma_start3A_42, %dma_start3A_43] : memref<4000000x32xf32, #tpu.memory_space<hbm>> -> memref<4000000x32xf32, #tpu.memory_space<hbm>>
    %dma_start3A_45 = tpu.memref_slice %arg7[%dma_start3A_34] : memref<8x!tpu.dma_semaphore, #tpu.memory_space<semaphore_mem>> -> memref<1x!tpu.dma_semaphore, #tpu.memory_space<semaphore_mem>>
    %dma_start3A_46 = tpu.memref_squeeze %dma_start3A_45 : memref<1x!tpu.dma_semaphore, #tpu.memory_space<semaphore_mem>> -> memref<!tpu.dma_semaphore, #tpu.memory_space<semaphore_mem>>
    tpu.enqueue_indirect_dma source(%dma_start3A_44 : memref<4000000x32xf32, #tpu.memory_space<hbm>>) target(%dma_start3A_38 : memref<50x32xf32, #tpu.memory_space<vmem>>) offsets(%dma_start3A_41 : memref<50xi32, #tpu.memory_space<vmem>>) semaphore(%dma_start3A_46 : memref<!tpu.dma_semaphore, #tpu.memory_space<semaphore_mem>>)
    %dma_start3A_47 = arith.constant 3 : i32
    %dma_start3A_48 = arith.constant 3 : i32
    %dma_start3A_49 = arith.constant 3 : i32
    %dma_start3A_50 = arith.constant 0 : i32
    %dma_start3A_51 = arith.constant 0 : i32
    %dma_start3A_52 = tpu.memref_slice %arg6[%dma_start3A_48, %dma_start3A_50, %dma_start3A_51] : memref<8x50x32xf32, #tpu.memory_space<vmem>> -> memref<1x50x32xf32, #tpu.memory_space<vmem>>
    %dma_start3A_53 = tpu.memref_squeeze %dma_start3A_52 : memref<1x50x32xf32, #tpu.memory_space<vmem>> -> memref<50x32xf32, #tpu.memory_space<vmem>>
    %dma_start3A_54 = arith.constant 0 : i32
    %dma_start3A_55 = tpu.memref_slice %arg5[%dma_start3A_47, %dma_start3A_54] : memref<512x50xi32, #tpu.memory_space<vmem>> -> memref<1x50xi32, #tpu.memory_space<vmem>>
    %dma_start3A_56 = tpu.memref_squeeze %dma_start3A_55 : memref<1x50xi32, #tpu.memory_space<vmem>> -> memref<50xi32, #tpu.memory_space<vmem>>
    %dma_start3A_57 = arith.constant 0 : i32
    %dma_start3A_58 = arith.constant 0 : i32
    %dma_start3A_59 = tpu.memref_slice %arg3[%dma_start3A_57, %dma_start3A_58] : memref<4000000x32xf32, #tpu.memory_space<hbm>> -> memref<4000000x32xf32, #tpu.memory_space<hbm>>
    %dma_start3A_60 = tpu.memref_slice %arg7[%dma_start3A_49] : memref<8x!tpu.dma_semaphore, #tpu.memory_space<semaphore_mem>> -> memref<1x!tpu.dma_semaphore, #tpu.memory_space<semaphore_mem>>
    %dma_start3A_61 = tpu.memref_squeeze %dma_start3A_60 : memref<1x!tpu.dma_semaphore, #tpu.memory_space<semaphore_mem>> -> memref<!tpu.dma_semaphore, #tpu.memory_space<semaphore_mem>>
    tpu.enqueue_indirect_dma source(%dma_start3A_59 : memref<4000000x32xf32, #tpu.memory_space<hbm>>) target(%dma_start3A_53 : memref<50x32xf32, #tpu.memory_space<vmem>>) offsets(%dma_start3A_56 : memref<50xi32, #tpu.memory_space<vmem>>) semaphore(%dma_start3A_61 : memref<!tpu.dma_semaphore, #tpu.memory_space<semaphore_mem>>)
    %dma_start3A_62 = arith.constant 4 : i32
    %dma_start3A_63 = arith.constant 4 : i32
    %dma_start3A_64 = arith.constant 4 : i32
    %dma_start3A_65 = arith.constant 0 : i32
    %dma_start3A_66 = arith.constant 0 : i32
    %dma_start3A_67 = tpu.memref_slice %arg6[%dma_start3A_63, %dma_start3A_65, %dma_start3A_66] : memref<8x50x32xf32, #tpu.memory_space<vmem>> -> memref<1x50x32xf32, #tpu.memory_space<vmem>>
    %dma_start3A_68 = tpu.memref_squeeze %dma_start3A_67 : memref<1x50x32xf32, #tpu.memory_space<vmem>> -> memref<50x32xf32, #tpu.memory_space<vmem>>
    %dma_start3A_69 = arith.constant 0 : i32
    %dma_start3A_70 = tpu.memref_slice %arg5[%dma_start3A_62, %dma_start3A_69] : memref<512x50xi32, #tpu.memory_space<vmem>> -> memref<1x50xi32, #tpu.memory_space<vmem>>
    %dma_start3A_71 = tpu.memref_squeeze %dma_start3A_70 : memref<1x50xi32, #tpu.memory_space<vmem>> -> memref<50xi32, #tpu.memory_space<vmem>>
    %dma_start3A_72 = arith.constant 0 : i32
    %dma_start3A_73 = arith.constant 0 : i32
    %dma_start3A_74 = tpu.memref_slice %arg3[%dma_start3A_72, %dma_start3A_73] : memref<4000000x32xf32, #tpu.memory_space<hbm>> -> memref<4000000x32xf32, #tpu.memory_space<hbm>>
    %dma_start3A_75 = tpu.memref_slice %arg7[%dma_start3A_64] : memref<8x!tpu.dma_semaphore, #tpu.memory_space<semaphore_mem>> -> memref<1x!tpu.dma_semaphore, #tpu.memory_space<semaphore_mem>>
    %dma_start3A_76 = tpu.memref_squeeze %dma_start3A_75 : memref<1x!tpu.dma_semaphore, #tpu.memory_space<semaphore_mem>> -> memref<!tpu.dma_semaphore, #tpu.memory_space<semaphore_mem>>
    tpu.enqueue_indirect_dma source(%dma_start3A_74 : memref<4000000x32xf32, #tpu.memory_space<hbm>>) target(%dma_start3A_68 : memref<50x32xf32, #tpu.memory_space<vmem>>) offsets(%dma_start3A_71 : memref<50xi32, #tpu.memory_space<vmem>>) semaphore(%dma_start3A_76 : memref<!tpu.dma_semaphore, #tpu.memory_space<semaphore_mem>>)
    %dma_start3A_77 = arith.constant 5 : i32
    %dma_start3A_78 = arith.constant 5 : i32
    %dma_start3A_79 = arith.constant 5 : i32
    %dma_start3A_80 = arith.constant 0 : i32
    %dma_start3A_81 = arith.constant 0 : i32
    %dma_start3A_82 = tpu.memref_slice %arg6[%dma_start3A_78, %dma_start3A_80, %dma_start3A_81] : memref<8x50x32xf32, #tpu.memory_space<vmem>> -> memref<1x50x32xf32, #tpu.memory_space<vmem>>
    %dma_start3A_83 = tpu.memref_squeeze %dma_start3A_82 : memref<1x50x32xf32, #tpu.memory_space<vmem>> -> memref<50x32xf32, #tpu.memory_space<vmem>>
    %dma_start3A_84 = arith.constant 0 : i32
    %dma_start3A_85 = tpu.memref_slice %arg5[%dma_start3A_77, %dma_start3A_84] : memref<512x50xi32, #tpu.memory_space<vmem>> -> memref<1x50xi32, #tpu.memory_space<vmem>>
    %dma_start3A_86 = tpu.memref_squeeze %dma_start3A_85 : memref<1x50xi32, #tpu.memory_space<vmem>> -> memref<50xi32, #tpu.memory_space<vmem>>
    %dma_start3A_87 = arith.constant 0 : i32
    %dma_start3A_88 = arith.constant 0 : i32
    %dma_start3A_89 = tpu.memref_slice %arg3[%dma_start3A_87, %dma_start3A_88] : memref<4000000x32xf32, #tpu.memory_space<hbm>> -> memref<4000000x32xf32, #tpu.memory_space<hbm>>
    %dma_start3A_90 = tpu.memref_slice %arg7[%dma_start3A_79] : memref<8x!tpu.dma_semaphore, #tpu.memory_space<semaphore_mem>> -> memref<1x!tpu.dma_semaphore, #tpu.memory_space<semaphore_mem>>
    %dma_start3A_91 = tpu.memref_squeeze %dma_start3A_90 : memref<1x!tpu.dma_semaphore, #tpu.memory_space<semaphore_mem>> -> memref<!tpu.dma_semaphore, #tpu.memory_space<semaphore_mem>>
    tpu.enqueue_indirect_dma source(%dma_start3A_89 : memref<4000000x32xf32, #tpu.memory_space<hbm>>) target(%dma_start3A_83 : memref<50x32xf32, #tpu.memory_space<vmem>>) offsets(%dma_start3A_86 : memref<50xi32, #tpu.memory_space<vmem>>) semaphore(%dma_start3A_91 : memref<!tpu.dma_semaphore, #tpu.memory_space<semaphore_mem>>)
    %scan3A = arith.constant 0 : i32
    %scan3A_92 = arith.constant 0 : i32
    %scan3A_93 = arith.constant 64 : i32
    %scan3A_94 = arith.addi %scan3A_92, %scan3A_93 : i32
    %scan3A_95 = arith.constant 1 : i32
    scf.for %scan3A_256 = %scan3A_92 to %scan3A_94 step %scan3A_95  : i32 {
      %mul3A_257 = arith.constant 8 : i32
      %mul3A_258 = arith.muli %scan3A_256, %mul3A_257 : i32
      %add3A_259 = arith.constant 0 : i32
      %add3A_260 = arith.addi %mul3A_258, %add3A_259 : i32
      %add3A_261 = arith.constant 6 : i32
      %add3A_262 = arith.addi %add3A_260, %add3A_261 : i32
      %lt3A = arith.constant 512 : i32
      %lt3A_263 = arith.cmpi slt, %add3A_262, %lt3A : i32
      %convert_element_type3A = arith.extui %lt3A_263 : i1 to i32
      %cond3A = arith.constant 0 : i32
      %cond3A_264 = arith.cmpi ne, %convert_element_type3A, %cond3A : i32
      scf.if %cond3A_264 {
        %ge3A = arith.constant 8 : i32
        %ge3A_608 = arith.cmpi sge, %add3A_262, %ge3A : i32
        %convert_element_type3A_609 = arith.extui %ge3A_608 : i1 to i32
        %cond3A_610 = arith.constant 0 : i32
        %cond3A_611 = arith.cmpi ne, %convert_element_type3A_609, %cond3A_610 : i32
        scf.if %cond3A_611 {
          %dma_wait3A_626 = arith.constant 6 : i32
          %dma_wait3A_627 = arith.constant 6 : i32
          %dma_wait3A_628 = arith.constant 0 : i32
          %dma_wait3A_629 = arith.constant 0 : i32
          %dma_wait3A_630 = tpu.memref_slice %arg6[%dma_wait3A_626, %dma_wait3A_628, %dma_wait3A_629] : memref<8x50x32xf32, #tpu.memory_space<vmem>> -> memref<1x50x32xf32, #tpu.memory_space<vmem>>
          %dma_wait3A_631 = tpu.memref_squeeze %dma_wait3A_630 : memref<1x50x32xf32, #tpu.memory_space<vmem>> -> memref<50x32xf32, #tpu.memory_space<vmem>>
          %dma_wait3A_632 = arith.constant 0 : i32
          %dma_wait3A_633 = arith.constant 0 : i32
          %dma_wait3A_634 = tpu.memref_slice %arg4[%mul3A_2, %dma_wait3A_632, %dma_wait3A_633] : memref<16384x50x32xf32, #tpu.memory_space<hbm>> -> memref<1x50x32xf32, #tpu.memory_space<hbm>>
          %dma_wait3A_635 = tpu.memref_squeeze %dma_wait3A_634 : memref<1x50x32xf32, #tpu.memory_space<hbm>> -> memref<50x32xf32, #tpu.memory_space<hbm>>
          %dma_wait3A_636 = tpu.memref_slice %arg8[%dma_wait3A_627] : memref<8x!tpu.dma_semaphore, #tpu.memory_space<semaphore_mem>> -> memref<1x!tpu.dma_semaphore, #tpu.memory_space<semaphore_mem>>
          %dma_wait3A_637 = tpu.memref_squeeze %dma_wait3A_636 : memref<1x!tpu.dma_semaphore, #tpu.memory_space<semaphore_mem>> -> memref<!tpu.dma_semaphore, #tpu.memory_space<semaphore_mem>>
          %dma_wait3A_638 = arith.constant 0 : i32
          %dma_wait3A_639 = arith.constant 0 : i32
          %dma_wait3A_640 = tpu.memref_slice %arg4[%mul3A_2, %dma_wait3A_638, %dma_wait3A_639] : memref<16384x50x32xf32, #tpu.memory_space<hbm>> -> memref<1x50x32xf32, #tpu.memory_space<hbm>>
          %dma_wait3A_641 = tpu.memref_squeeze %dma_wait3A_640 : memref<1x50x32xf32, #tpu.memory_space<hbm>> -> memref<50x32xf32, #tpu.memory_space<hbm>>
          %dma_wait3A_642 = arith.constant 0 : i32
          %dma_wait3A_643 = arith.constant 0 : i32
          %dma_wait3A_644 = tpu.memref_slice %arg6[%dma_wait3A_626, %dma_wait3A_642, %dma_wait3A_643] : memref<8x50x32xf32, #tpu.memory_space<vmem>> -> memref<1x50x32xf32, #tpu.memory_space<vmem>>
          %dma_wait3A_645 = tpu.memref_squeeze %dma_wait3A_644 : memref<1x50x32xf32, #tpu.memory_space<vmem>> -> memref<50x32xf32, #tpu.memory_space<vmem>>
          tpu.wait_dma2 semaphore(%dma_wait3A_637 : memref<!tpu.dma_semaphore, #tpu.memory_space<semaphore_mem>>) src(%dma_wait3A_645 : memref<50x32xf32, #tpu.memory_space<vmem>>) dst(%dma_wait3A_641 : memref<50x32xf32, #tpu.memory_space<hbm>>)
        } else {
        }
        %dma_start3A_612 = arith.constant 6 : i32
        %dma_start3A_613 = arith.constant 6 : i32
        %dma_start3A_614 = arith.constant 0 : i32
        %dma_start3A_615 = arith.constant 0 : i32
        %dma_start3A_616 = tpu.memref_slice %arg6[%dma_start3A_612, %dma_start3A_614, %dma_start3A_615] : memref<8x50x32xf32, #tpu.memory_space<vmem>> -> memref<1x50x32xf32, #tpu.memory_space<vmem>>
        %dma_start3A_617 = tpu.memref_squeeze %dma_start3A_616 : memref<1x50x32xf32, #tpu.memory_space<vmem>> -> memref<50x32xf32, #tpu.memory_space<vmem>>
        %dma_start3A_618 = arith.constant 0 : i32
        %dma_start3A_619 = tpu.memref_slice %arg5[%add3A_262, %dma_start3A_618] : memref<512x50xi32, #tpu.memory_space<vmem>> -> memref<1x50xi32, #tpu.memory_space<vmem>>
        %dma_start3A_620 = tpu.memref_squeeze %dma_start3A_619 : memref<1x50xi32, #tpu.memory_space<vmem>> -> memref<50xi32, #tpu.memory_space<vmem>>
        %dma_start3A_621 = arith.constant 0 : i32
        %dma_start3A_622 = arith.constant 0 : i32
        %dma_start3A_623 = tpu.memref_slice %arg3[%dma_start3A_621, %dma_start3A_622] : memref<4000000x32xf32, #tpu.memory_space<hbm>> -> memref<4000000x32xf32, #tpu.memory_space<hbm>>
        %dma_start3A_624 = tpu.memref_slice %arg7[%dma_start3A_613] : memref<8x!tpu.dma_semaphore, #tpu.memory_space<semaphore_mem>> -> memref<1x!tpu.dma_semaphore, #tpu.memory_space<semaphore_mem>>
        %dma_start3A_625 = tpu.memref_squeeze %dma_start3A_624 : memref<1x!tpu.dma_semaphore, #tpu.memory_space<semaphore_mem>> -> memref<!tpu.dma_semaphore, #tpu.memory_space<semaphore_mem>>
        tpu.enqueue_indirect_dma source(%dma_start3A_623 : memref<4000000x32xf32, #tpu.memory_space<hbm>>) target(%dma_start3A_617 : memref<50x32xf32, #tpu.memory_space<vmem>>) offsets(%dma_start3A_620 : memref<50xi32, #tpu.memory_space<vmem>>) semaphore(%dma_start3A_625 : memref<!tpu.dma_semaphore, #tpu.memory_space<semaphore_mem>>)
      } else {
      }
      %dma_wait3A_265 = arith.constant 0 : i32
      %dma_wait3A_266 = arith.constant 0 : i32
      %dma_wait3A_267 = arith.constant 0 : i32
      %dma_wait3A_268 = arith.constant 0 : i32
      %dma_wait3A_269 = tpu.memref_slice %arg6[%dma_wait3A_265, %dma_wait3A_267, %dma_wait3A_268] : memref<8x50x32xf32, #tpu.memory_space<vmem>> -> memref<1x50x32xf32, #tpu.memory_space<vmem>>
      %dma_wait3A_270 = tpu.memref_squeeze %dma_wait3A_269 : memref<1x50x32xf32, #tpu.memory_space<vmem>> -> memref<50x32xf32, #tpu.memory_space<vmem>>
      %dma_wait3A_271 = arith.constant 0 : i32
      %dma_wait3A_272 = tpu.memref_slice %arg5[%add3A_260, %dma_wait3A_271] : memref<512x50xi32, #tpu.memory_space<vmem>> -> memref<1x50xi32, #tpu.memory_space<vmem>>
      %dma_wait3A_273 = tpu.memref_squeeze %dma_wait3A_272 : memref<1x50xi32, #tpu.memory_space<vmem>> -> memref<50xi32, #tpu.memory_space<vmem>>
      %dma_wait3A_274 = arith.constant 0 : i32
      %dma_wait3A_275 = arith.constant 0 : i32
      %dma_wait3A_276 = tpu.memref_slice %arg3[%dma_wait3A_274, %dma_wait3A_275] : memref<4000000x32xf32, #tpu.memory_space<hbm>> -> memref<4000000x32xf32, #tpu.memory_space<hbm>>
      %dma_wait3A_277 = tpu.memref_slice %arg7[%dma_wait3A_266] : memref<8x!tpu.dma_semaphore, #tpu.memory_space<semaphore_mem>> -> memref<1x!tpu.dma_semaphore, #tpu.memory_space<semaphore_mem>>
      %dma_wait3A_278 = tpu.memref_squeeze %dma_wait3A_277 : memref<1x!tpu.dma_semaphore, #tpu.memory_space<semaphore_mem>> -> memref<!tpu.dma_semaphore, #tpu.memory_space<semaphore_mem>>
      tpu.wait_indirect_dma semaphore(%dma_wait3A_278 : memref<!tpu.dma_semaphore, #tpu.memory_space<semaphore_mem>>) src(%dma_wait3A_276 : memref<4000000x32xf32, #tpu.memory_space<hbm>>) dst(%dma_wait3A_270 : memref<50x32xf32, #tpu.memory_space<vmem>>)
      %add3A_279 = arith.addi %mul3A_2, %add3A_260 : i32
      %dma_start3A_280 = arith.constant 0 : i32
      %dma_start3A_281 = arith.constant 0 : i32
      %dma_start3A_282 = arith.constant 0 : i32
      %dma_start3A_283 = arith.constant 0 : i32
      %dma_start3A_284 = tpu.memref_slice %arg6[%dma_start3A_280, %dma_start3A_282, %dma_start3A_283] : memref<8x50x32xf32, #tpu.memory_space<vmem>> -> memref<1x50x32xf32, #tpu.memory_space<vmem>>
      %dma_start3A_285 = tpu.memref_squeeze %dma_start3A_284 : memref<1x50x32xf32, #tpu.memory_space<vmem>> -> memref<50x32xf32, #tpu.memory_space<vmem>>
      %dma_start3A_286 = arith.constant 0 : i32
      %dma_start3A_287 = arith.constant 0 : i32
      %dma_start3A_288 = tpu.memref_slice %arg4[%add3A_279, %dma_start3A_286, %dma_start3A_287] : memref<16384x50x32xf32, #tpu.memory_space<hbm>> -> memref<1x50x32xf32, #tpu.memory_space<hbm>>
      %dma_start3A_289 = tpu.memref_squeeze %dma_start3A_288 : memref<1x50x32xf32, #tpu.memory_space<hbm>> -> memref<50x32xf32, #tpu.memory_space<hbm>>
      %dma_start3A_290 = tpu.memref_slice %arg8[%dma_start3A_281] : memref<8x!tpu.dma_semaphore, #tpu.memory_space<semaphore_mem>> -> memref<1x!tpu.dma_semaphore, #tpu.memory_space<semaphore_mem>>
      %dma_start3A_291 = tpu.memref_squeeze %dma_start3A_290 : memref<1x!tpu.dma_semaphore, #tpu.memory_space<semaphore_mem>> -> memref<!tpu.dma_semaphore, #tpu.memory_space<semaphore_mem>>
      %dma_start3A_292 = arith.constant 0 : i32
      %dma_start3A_293 = arith.constant 0 : i32
      %dma_start3A_294 = tpu.memref_slice %arg4[%add3A_279, %dma_start3A_292, %dma_start3A_293] : memref<16384x50x32xf32, #tpu.memory_space<hbm>> -> memref<1x50x32xf32, #tpu.memory_space<hbm>>
      %dma_start3A_295 = tpu.memref_squeeze %dma_start3A_294 : memref<1x50x32xf32, #tpu.memory_space<hbm>> -> memref<50x32xf32, #tpu.memory_space<hbm>>
      %dma_start3A_296 = arith.constant 0 : i32
      %dma_start3A_297 = arith.constant 0 : i32
      %dma_start3A_298 = tpu.memref_slice %arg6[%dma_start3A_280, %dma_start3A_296, %dma_start3A_297] : memref<8x50x32xf32, #tpu.memory_space<vmem>> -> memref<1x50x32xf32, #tpu.memory_space<vmem>>
      %dma_start3A_299 = tpu.memref_squeeze %dma_start3A_298 : memref<1x50x32xf32, #tpu.memory_space<vmem>> -> memref<50x32xf32, #tpu.memory_space<vmem>>
      tpu.enqueue_dma source(%dma_start3A_299 : memref<50x32xf32, #tpu.memory_space<vmem>>) target(%dma_start3A_295 : memref<50x32xf32, #tpu.memory_space<hbm>>) target_semaphore(%dma_start3A_291 : memref<!tpu.dma_semaphore, #tpu.memory_space<semaphore_mem>>)
      %add3A_300 = arith.constant 1 : i32
      %add3A_301 = arith.addi %mul3A_258, %add3A_300 : i32
      %add3A_302 = arith.constant 6 : i32
      %add3A_303 = arith.addi %add3A_301, %add3A_302 : i32
      %lt3A_304 = arith.constant 512 : i32
      %lt3A_305 = arith.cmpi slt, %add3A_303, %lt3A_304 : i32
      %convert_element_type3A_306 = arith.extui %lt3A_305 : i1 to i32
      %cond3A_307 = arith.constant 0 : i32
      %cond3A_308 = arith.cmpi ne, %convert_element_type3A_306, %cond3A_307 : i32
      scf.if %cond3A_308 {
        %ge3A = arith.constant 8 : i32
        %ge3A_608 = arith.cmpi sge, %add3A_303, %ge3A : i32
        %convert_element_type3A_609 = arith.extui %ge3A_608 : i1 to i32
        %cond3A_610 = arith.constant 0 : i32
        %cond3A_611 = arith.cmpi ne, %convert_element_type3A_609, %cond3A_610 : i32
        scf.if %cond3A_611 {
          %dma_wait3A_626 = arith.constant 7 : i32
          %dma_wait3A_627 = arith.constant 7 : i32
          %dma_wait3A_628 = arith.constant 0 : i32
          %dma_wait3A_629 = arith.constant 0 : i32
          %dma_wait3A_630 = tpu.memref_slice %arg6[%dma_wait3A_626, %dma_wait3A_628, %dma_wait3A_629] : memref<8x50x32xf32, #tpu.memory_space<vmem>> -> memref<1x50x32xf32, #tpu.memory_space<vmem>>
          %dma_wait3A_631 = tpu.memref_squeeze %dma_wait3A_630 : memref<1x50x32xf32, #tpu.memory_space<vmem>> -> memref<50x32xf32, #tpu.memory_space<vmem>>
          %dma_wait3A_632 = arith.constant 0 : i32
          %dma_wait3A_633 = arith.constant 0 : i32
          %dma_wait3A_634 = tpu.memref_slice %arg4[%mul3A_2, %dma_wait3A_632, %dma_wait3A_633] : memref<16384x50x32xf32, #tpu.memory_space<hbm>> -> memref<1x50x32xf32, #tpu.memory_space<hbm>>
          %dma_wait3A_635 = tpu.memref_squeeze %dma_wait3A_634 : memref<1x50x32xf32, #tpu.memory_space<hbm>> -> memref<50x32xf32, #tpu.memory_space<hbm>>
          %dma_wait3A_636 = tpu.memref_slice %arg8[%dma_wait3A_627] : memref<8x!tpu.dma_semaphore, #tpu.memory_space<semaphore_mem>> -> memref<1x!tpu.dma_semaphore, #tpu.memory_space<semaphore_mem>>
          %dma_wait3A_637 = tpu.memref_squeeze %dma_wait3A_636 : memref<1x!tpu.dma_semaphore, #tpu.memory_space<semaphore_mem>> -> memref<!tpu.dma_semaphore, #tpu.memory_space<semaphore_mem>>
          %dma_wait3A_638 = arith.constant 0 : i32
          %dma_wait3A_639 = arith.constant 0 : i32
          %dma_wait3A_640 = tpu.memref_slice %arg4[%mul3A_2, %dma_wait3A_638, %dma_wait3A_639] : memref<16384x50x32xf32, #tpu.memory_space<hbm>> -> memref<1x50x32xf32, #tpu.memory_space<hbm>>
          %dma_wait3A_641 = tpu.memref_squeeze %dma_wait3A_640 : memref<1x50x32xf32, #tpu.memory_space<hbm>> -> memref<50x32xf32, #tpu.memory_space<hbm>>
          %dma_wait3A_642 = arith.constant 0 : i32
          %dma_wait3A_643 = arith.constant 0 : i32
          %dma_wait3A_644 = tpu.memref_slice %arg6[%dma_wait3A_626, %dma_wait3A_642, %dma_wait3A_643] : memref<8x50x32xf32, #tpu.memory_space<vmem>> -> memref<1x50x32xf32, #tpu.memory_space<vmem>>
          %dma_wait3A_645 = tpu.memref_squeeze %dma_wait3A_644 : memref<1x50x32xf32, #tpu.memory_space<vmem>> -> memref<50x32xf32, #tpu.memory_space<vmem>>
          tpu.wait_dma2 semaphore(%dma_wait3A_637 : memref<!tpu.dma_semaphore, #tpu.memory_space<semaphore_mem>>) src(%dma_wait3A_645 : memref<50x32xf32, #tpu.memory_space<vmem>>) dst(%dma_wait3A_641 : memref<50x32xf32, #tpu.memory_space<hbm>>)
        } else {
        }
        %dma_start3A_612 = arith.constant 7 : i32
        %dma_start3A_613 = arith.constant 7 : i32
        %dma_start3A_614 = arith.constant 0 : i32
        %dma_start3A_615 = arith.constant 0 : i32
        %dma_start3A_616 = tpu.memref_slice %arg6[%dma_start3A_612, %dma_start3A_614, %dma_start3A_615] : memref<8x50x32xf32, #tpu.memory_space<vmem>> -> memref<1x50x32xf32, #tpu.memory_space<vmem>>
        %dma_start3A_617 = tpu.memref_squeeze %dma_start3A_616 : memref<1x50x32xf32, #tpu.memory_space<vmem>> -> memref<50x32xf32, #tpu.memory_space<vmem>>
        %dma_start3A_618 = arith.constant 0 : i32
        %dma_start3A_619 = tpu.memref_slice %arg5[%add3A_303, %dma_start3A_618] : memref<512x50xi32, #tpu.memory_space<vmem>> -> memref<1x50xi32, #tpu.memory_space<vmem>>
        %dma_start3A_620 = tpu.memref_squeeze %dma_start3A_619 : memref<1x50xi32, #tpu.memory_space<vmem>> -> memref<50xi32, #tpu.memory_space<vmem>>
        %dma_start3A_621 = arith.constant 0 : i32
        %dma_start3A_622 = arith.constant 0 : i32
        %dma_start3A_623 = tpu.memref_slice %arg3[%dma_start3A_621, %dma_start3A_622] : memref<4000000x32xf32, #tpu.memory_space<hbm>> -> memref<4000000x32xf32, #tpu.memory_space<hbm>>
        %dma_start3A_624 = tpu.memref_slice %arg7[%dma_start3A_613] : memref<8x!tpu.dma_semaphore, #tpu.memory_space<semaphore_mem>> -> memref<1x!tpu.dma_semaphore, #tpu.memory_space<semaphore_mem>>
        %dma_start3A_625 = tpu.memref_squeeze %dma_start3A_624 : memref<1x!tpu.dma_semaphore, #tpu.memory_space<semaphore_mem>> -> memref<!tpu.dma_semaphore, #tpu.memory_space<semaphore_mem>>
        tpu.enqueue_indirect_dma source(%dma_start3A_623 : memref<4000000x32xf32, #tpu.memory_space<hbm>>) target(%dma_start3A_617 : memref<50x32xf32, #tpu.memory_space<vmem>>) offsets(%dma_start3A_620 : memref<50xi32, #tpu.memory_space<vmem>>) semaphore(%dma_start3A_625 : memref<!tpu.dma_semaphore, #tpu.memory_space<semaphore_mem>>)
      } else {
      }
      %dma_wait3A_309 = arith.constant 1 : i32
      %dma_wait3A_310 = arith.constant 1 : i32
      %dma_wait3A_311 = arith.constant 0 : i32
      %dma_wait3A_312 = arith.constant 0 : i32
      %dma_wait3A_313 = tpu.memref_slice %arg6[%dma_wait3A_309, %dma_wait3A_311, %dma_wait3A_312] : memref<8x50x32xf32, #tpu.memory_space<vmem>> -> memref<1x50x32xf32, #tpu.memory_space<vmem>>
      %dma_wait3A_314 = tpu.memref_squeeze %dma_wait3A_313 : memref<1x50x32xf32, #tpu.memory_space<vmem>> -> memref<50x32xf32, #tpu.memory_space<vmem>>
      %dma_wait3A_315 = arith.constant 0 : i32
      %dma_wait3A_316 = tpu.memref_slice %arg5[%add3A_301, %dma_wait3A_315] : memref<512x50xi32, #tpu.memory_space<vmem>> -> memref<1x50xi32, #tpu.memory_space<vmem>>
      %dma_wait3A_317 = tpu.memref_squeeze %dma_wait3A_316 : memref<1x50xi32, #tpu.memory_space<vmem>> -> memref<50xi32, #tpu.memory_space<vmem>>
      %dma_wait3A_318 = arith.constant 0 : i32
      %dma_wait3A_319 = arith.constant 0 : i32
      %dma_wait3A_320 = tpu.memref_slice %arg3[%dma_wait3A_318, %dma_wait3A_319] : memref<4000000x32xf32, #tpu.memory_space<hbm>> -> memref<4000000x32xf32, #tpu.memory_space<hbm>>
      %dma_wait3A_321 = tpu.memref_slice %arg7[%dma_wait3A_310] : memref<8x!tpu.dma_semaphore, #tpu.memory_space<semaphore_mem>> -> memref<1x!tpu.dma_semaphore, #tpu.memory_space<semaphore_mem>>
      %dma_wait3A_322 = tpu.memref_squeeze %dma_wait3A_321 : memref<1x!tpu.dma_semaphore, #tpu.memory_space<semaphore_mem>> -> memref<!tpu.dma_semaphore, #tpu.memory_space<semaphore_mem>>
      tpu.wait_indirect_dma semaphore(%dma_wait3A_322 : memref<!tpu.dma_semaphore, #tpu.memory_space<semaphore_mem>>) src(%dma_wait3A_320 : memref<4000000x32xf32, #tpu.memory_space<hbm>>) dst(%dma_wait3A_314 : memref<50x32xf32, #tpu.memory_space<vmem>>)
      %add3A_323 = arith.addi %mul3A_2, %add3A_301 : i32
      %dma_start3A_324 = arith.constant 1 : i32
      %dma_start3A_325 = arith.constant 1 : i32
      %dma_start3A_326 = arith.constant 0 : i32
      %dma_start3A_327 = arith.constant 0 : i32
      %dma_start3A_328 = tpu.memref_slice %arg6[%dma_start3A_324, %dma_start3A_326, %dma_start3A_327] : memref<8x50x32xf32, #tpu.memory_space<vmem>> -> memref<1x50x32xf32, #tpu.memory_space<vmem>>
      %dma_start3A_329 = tpu.memref_squeeze %dma_start3A_328 : memref<1x50x32xf32, #tpu.memory_space<vmem>> -> memref<50x32xf32, #tpu.memory_space<vmem>>
      %dma_start3A_330 = arith.constant 0 : i32
      %dma_start3A_331 = arith.constant 0 : i32
      %dma_start3A_332 = tpu.memref_slice %arg4[%add3A_323, %dma_start3A_330, %dma_start3A_331] : memref<16384x50x32xf32, #tpu.memory_space<hbm>> -> memref<1x50x32xf32, #tpu.memory_space<hbm>>
      %dma_start3A_333 = tpu.memref_squeeze %dma_start3A_332 : memref<1x50x32xf32, #tpu.memory_space<hbm>> -> memref<50x32xf32, #tpu.memory_space<hbm>>
      %dma_start3A_334 = tpu.memref_slice %arg8[%dma_start3A_325] : memref<8x!tpu.dma_semaphore, #tpu.memory_space<semaphore_mem>> -> memref<1x!tpu.dma_semaphore, #tpu.memory_space<semaphore_mem>>
      %dma_start3A_335 = tpu.memref_squeeze %dma_start3A_334 : memref<1x!tpu.dma_semaphore, #tpu.memory_space<semaphore_mem>> -> memref<!tpu.dma_semaphore, #tpu.memory_space<semaphore_mem>>
      %dma_start3A_336 = arith.constant 0 : i32
      %dma_start3A_337 = arith.constant 0 : i32
      %dma_start3A_338 = tpu.memref_slice %arg4[%add3A_323, %dma_start3A_336, %dma_start3A_337] : memref<16384x50x32xf32, #tpu.memory_space<hbm>> -> memref<1x50x32xf32, #tpu.memory_space<hbm>>
      %dma_start3A_339 = tpu.memref_squeeze %dma_start3A_338 : memref<1x50x32xf32, #tpu.memory_space<hbm>> -> memref<50x32xf32, #tpu.memory_space<hbm>>
      %dma_start3A_340 = arith.constant 0 : i32
      %dma_start3A_341 = arith.constant 0 : i32
      %dma_start3A_342 = tpu.memref_slice %arg6[%dma_start3A_324, %dma_start3A_340, %dma_start3A_341] : memref<8x50x32xf32, #tpu.memory_space<vmem>> -> memref<1x50x32xf32, #tpu.memory_space<vmem>>
      %dma_start3A_343 = tpu.memref_squeeze %dma_start3A_342 : memref<1x50x32xf32, #tpu.memory_space<vmem>> -> memref<50x32xf32, #tpu.memory_space<vmem>>
      tpu.enqueue_dma source(%dma_start3A_343 : memref<50x32xf32, #tpu.memory_space<vmem>>) target(%dma_start3A_339 : memref<50x32xf32, #tpu.memory_space<hbm>>) target_semaphore(%dma_start3A_335 : memref<!tpu.dma_semaphore, #tpu.memory_space<semaphore_mem>>)
      %add3A_344 = arith.constant 2 : i32
      %add3A_345 = arith.addi %mul3A_258, %add3A_344 : i32
      %add3A_346 = arith.constant 6 : i32
      %add3A_347 = arith.addi %add3A_345, %add3A_346 : i32
      %lt3A_348 = arith.constant 512 : i32
      %lt3A_349 = arith.cmpi slt, %add3A_347, %lt3A_348 : i32
      %convert_element_type3A_350 = arith.extui %lt3A_349 : i1 to i32
      %cond3A_351 = arith.constant 0 : i32
      %cond3A_352 = arith.cmpi ne, %convert_element_type3A_350, %cond3A_351 : i32
      scf.if %cond3A_352 {
        %ge3A = arith.constant 8 : i32
        %ge3A_608 = arith.cmpi sge, %add3A_347, %ge3A : i32
        %convert_element_type3A_609 = arith.extui %ge3A_608 : i1 to i32
        %cond3A_610 = arith.constant 0 : i32
        %cond3A_611 = arith.cmpi ne, %convert_element_type3A_609, %cond3A_610 : i32
        scf.if %cond3A_611 {
          %dma_wait3A_626 = arith.constant 0 : i32
          %dma_wait3A_627 = arith.constant 0 : i32
          %dma_wait3A_628 = arith.constant 0 : i32
          %dma_wait3A_629 = arith.constant 0 : i32
          %dma_wait3A_630 = tpu.memref_slice %arg6[%dma_wait3A_626, %dma_wait3A_628, %dma_wait3A_629] : memref<8x50x32xf32, #tpu.memory_space<vmem>> -> memref<1x50x32xf32, #tpu.memory_space<vmem>>
          %dma_wait3A_631 = tpu.memref_squeeze %dma_wait3A_630 : memref<1x50x32xf32, #tpu.memory_space<vmem>> -> memref<50x32xf32, #tpu.memory_space<vmem>>
          %dma_wait3A_632 = arith.constant 0 : i32
          %dma_wait3A_633 = arith.constant 0 : i32
          %dma_wait3A_634 = tpu.memref_slice %arg4[%mul3A_2, %dma_wait3A_632, %dma_wait3A_633] : memref<16384x50x32xf32, #tpu.memory_space<hbm>> -> memref<1x50x32xf32, #tpu.memory_space<hbm>>
          %dma_wait3A_635 = tpu.memref_squeeze %dma_wait3A_634 : memref<1x50x32xf32, #tpu.memory_space<hbm>> -> memref<50x32xf32, #tpu.memory_space<hbm>>
          %dma_wait3A_636 = tpu.memref_slice %arg8[%dma_wait3A_627] : memref<8x!tpu.dma_semaphore, #tpu.memory_space<semaphore_mem>> -> memref<1x!tpu.dma_semaphore, #tpu.memory_space<semaphore_mem>>
          %dma_wait3A_637 = tpu.memref_squeeze %dma_wait3A_636 : memref<1x!tpu.dma_semaphore, #tpu.memory_space<semaphore_mem>> -> memref<!tpu.dma_semaphore, #tpu.memory_space<semaphore_mem>>
          %dma_wait3A_638 = arith.constant 0 : i32
          %dma_wait3A_639 = arith.constant 0 : i32
          %dma_wait3A_640 = tpu.memref_slice %arg4[%mul3A_2, %dma_wait3A_638, %dma_wait3A_639] : memref<16384x50x32xf32, #tpu.memory_space<hbm>> -> memref<1x50x32xf32, #tpu.memory_space<hbm>>
          %dma_wait3A_641 = tpu.memref_squeeze %dma_wait3A_640 : memref<1x50x32xf32, #tpu.memory_space<hbm>> -> memref<50x32xf32, #tpu.memory_space<hbm>>
          %dma_wait3A_642 = arith.constant 0 : i32
          %dma_wait3A_643 = arith.constant 0 : i32
          %dma_wait3A_644 = tpu.memref_slice %arg6[%dma_wait3A_626, %dma_wait3A_642, %dma_wait3A_643] : memref<8x50x32xf32, #tpu.memory_space<vmem>> -> memref<1x50x32xf32, #tpu.memory_space<vmem>>
          %dma_wait3A_645 = tpu.memref_squeeze %dma_wait3A_644 : memref<1x50x32xf32, #tpu.memory_space<vmem>> -> memref<50x32xf32, #tpu.memory_space<vmem>>
          tpu.wait_dma2 semaphore(%dma_wait3A_637 : memref<!tpu.dma_semaphore, #tpu.memory_space<semaphore_mem>>) src(%dma_wait3A_645 : memref<50x32xf32, #tpu.memory_space<vmem>>) dst(%dma_wait3A_641 : memref<50x32xf32, #tpu.memory_space<hbm>>)
        } else {
        }
        %dma_start3A_612 = arith.constant 0 : i32
        %dma_start3A_613 = arith.constant 0 : i32
        %dma_start3A_614 = arith.constant 0 : i32
        %dma_start3A_615 = arith.constant 0 : i32
        %dma_start3A_616 = tpu.memref_slice %arg6[%dma_start3A_612, %dma_start3A_614, %dma_start3A_615] : memref<8x50x32xf32, #tpu.memory_space<vmem>> -> memref<1x50x32xf32, #tpu.memory_space<vmem>>
        %dma_start3A_617 = tpu.memref_squeeze %dma_start3A_616 : memref<1x50x32xf32, #tpu.memory_space<vmem>> -> memref<50x32xf32, #tpu.memory_space<vmem>>
        %dma_start3A_618 = arith.constant 0 : i32
        %dma_start3A_619 = tpu.memref_slice %arg5[%add3A_347, %dma_start3A_618] : memref<512x50xi32, #tpu.memory_space<vmem>> -> memref<1x50xi32, #tpu.memory_space<vmem>>
        %dma_start3A_620 = tpu.memref_squeeze %dma_start3A_619 : memref<1x50xi32, #tpu.memory_space<vmem>> -> memref<50xi32, #tpu.memory_space<vmem>>
        %dma_start3A_621 = arith.constant 0 : i32
        %dma_start3A_622 = arith.constant 0 : i32
        %dma_start3A_623 = tpu.memref_slice %arg3[%dma_start3A_621, %dma_start3A_622] : memref<4000000x32xf32, #tpu.memory_space<hbm>> -> memref<4000000x32xf32, #tpu.memory_space<hbm>>
        %dma_start3A_624 = tpu.memref_slice %arg7[%dma_start3A_613] : memref<8x!tpu.dma_semaphore, #tpu.memory_space<semaphore_mem>> -> memref<1x!tpu.dma_semaphore, #tpu.memory_space<semaphore_mem>>
        %dma_start3A_625 = tpu.memref_squeeze %dma_start3A_624 : memref<1x!tpu.dma_semaphore, #tpu.memory_space<semaphore_mem>> -> memref<!tpu.dma_semaphore, #tpu.memory_space<semaphore_mem>>
        tpu.enqueue_indirect_dma source(%dma_start3A_623 : memref<4000000x32xf32, #tpu.memory_space<hbm>>) target(%dma_start3A_617 : memref<50x32xf32, #tpu.memory_space<vmem>>) offsets(%dma_start3A_620 : memref<50xi32, #tpu.memory_space<vmem>>) semaphore(%dma_start3A_625 : memref<!tpu.dma_semaphore, #tpu.memory_space<semaphore_mem>>)
      } else {
      }
      %dma_wait3A_353 = arith.constant 2 : i32
      %dma_wait3A_354 = arith.constant 2 : i32
      %dma_wait3A_355 = arith.constant 0 : i32
      %dma_wait3A_356 = arith.constant 0 : i32
      %dma_wait3A_357 = tpu.memref_slice %arg6[%dma_wait3A_353, %dma_wait3A_355, %dma_wait3A_356] : memref<8x50x32xf32, #tpu.memory_space<vmem>> -> memref<1x50x32xf32, #tpu.memory_space<vmem>>
      %dma_wait3A_358 = tpu.memref_squeeze %dma_wait3A_357 : memref<1x50x32xf32, #tpu.memory_space<vmem>> -> memref<50x32xf32, #tpu.memory_space<vmem>>
      %dma_wait3A_359 = arith.constant 0 : i32
      %dma_wait3A_360 = tpu.memref_slice %arg5[%add3A_345, %dma_wait3A_359] : memref<512x50xi32, #tpu.memory_space<vmem>> -> memref<1x50xi32, #tpu.memory_space<vmem>>
      %dma_wait3A_361 = tpu.memref_squeeze %dma_wait3A_360 : memref<1x50xi32, #tpu.memory_space<vmem>> -> memref<50xi32, #tpu.memory_space<vmem>>
      %dma_wait3A_362 = arith.constant 0 : i32
      %dma_wait3A_363 = arith.constant 0 : i32
      %dma_wait3A_364 = tpu.memref_slice %arg3[%dma_wait3A_362, %dma_wait3A_363] : memref<4000000x32xf32, #tpu.memory_space<hbm>> -> memref<4000000x32xf32, #tpu.memory_space<hbm>>
      %dma_wait3A_365 = tpu.memref_slice %arg7[%dma_wait3A_354] : memref<8x!tpu.dma_semaphore, #tpu.memory_space<semaphore_mem>> -> memref<1x!tpu.dma_semaphore, #tpu.memory_space<semaphore_mem>>
      %dma_wait3A_366 = tpu.memref_squeeze %dma_wait3A_365 : memref<1x!tpu.dma_semaphore, #tpu.memory_space<semaphore_mem>> -> memref<!tpu.dma_semaphore, #tpu.memory_space<semaphore_mem>>
      tpu.wait_indirect_dma semaphore(%dma_wait3A_366 : memref<!tpu.dma_semaphore, #tpu.memory_space<semaphore_mem>>) src(%dma_wait3A_364 : memref<4000000x32xf32, #tpu.memory_space<hbm>>) dst(%dma_wait3A_358 : memref<50x32xf32, #tpu.memory_space<vmem>>)
      %add3A_367 = arith.addi %mul3A_2, %add3A_345 : i32
      %dma_start3A_368 = arith.constant 2 : i32
      %dma_start3A_369 = arith.constant 2 : i32
      %dma_start3A_370 = arith.constant 0 : i32
      %dma_start3A_371 = arith.constant 0 : i32
      %dma_start3A_372 = tpu.memref_slice %arg6[%dma_start3A_368, %dma_start3A_370, %dma_start3A_371] : memref<8x50x32xf32, #tpu.memory_space<vmem>> -> memref<1x50x32xf32, #tpu.memory_space<vmem>>
      %dma_start3A_373 = tpu.memref_squeeze %dma_start3A_372 : memref<1x50x32xf32, #tpu.memory_space<vmem>> -> memref<50x32xf32, #tpu.memory_space<vmem>>
      %dma_start3A_374 = arith.constant 0 : i32
      %dma_start3A_375 = arith.constant 0 : i32
      %dma_start3A_376 = tpu.memref_slice %arg4[%add3A_367, %dma_start3A_374, %dma_start3A_375] : memref<16384x50x32xf32, #tpu.memory_space<hbm>> -> memref<1x50x32xf32, #tpu.memory_space<hbm>>
      %dma_start3A_377 = tpu.memref_squeeze %dma_start3A_376 : memref<1x50x32xf32, #tpu.memory_space<hbm>> -> memref<50x32xf32, #tpu.memory_space<hbm>>
      %dma_start3A_378 = tpu.memref_slice %arg8[%dma_start3A_369] : memref<8x!tpu.dma_semaphore, #tpu.memory_space<semaphore_mem>> -> memref<1x!tpu.dma_semaphore, #tpu.memory_space<semaphore_mem>>
      %dma_start3A_379 = tpu.memref_squeeze %dma_start3A_378 : memref<1x!tpu.dma_semaphore, #tpu.memory_space<semaphore_mem>> -> memref<!tpu.dma_semaphore, #tpu.memory_space<semaphore_mem>>
      %dma_start3A_380 = arith.constant 0 : i32
      %dma_start3A_381 = arith.constant 0 : i32
      %dma_start3A_382 = tpu.memref_slice %arg4[%add3A_367, %dma_start3A_380, %dma_start3A_381] : memref<16384x50x32xf32, #tpu.memory_space<hbm>> -> memref<1x50x32xf32, #tpu.memory_space<hbm>>
      %dma_start3A_383 = tpu.memref_squeeze %dma_start3A_382 : memref<1x50x32xf32, #tpu.memory_space<hbm>> -> memref<50x32xf32, #tpu.memory_space<hbm>>
      %dma_start3A_384 = arith.constant 0 : i32
      %dma_start3A_385 = arith.constant 0 : i32
      %dma_start3A_386 = tpu.memref_slice %arg6[%dma_start3A_368, %dma_start3A_384, %dma_start3A_385] : memref<8x50x32xf32, #tpu.memory_space<vmem>> -> memref<1x50x32xf32, #tpu.memory_space<vmem>>
      %dma_start3A_387 = tpu.memref_squeeze %dma_start3A_386 : memref<1x50x32xf32, #tpu.memory_space<vmem>> -> memref<50x32xf32, #tpu.memory_space<vmem>>
      tpu.enqueue_dma source(%dma_start3A_387 : memref<50x32xf32, #tpu.memory_space<vmem>>) target(%dma_start3A_383 : memref<50x32xf32, #tpu.memory_space<hbm>>) target_semaphore(%dma_start3A_379 : memref<!tpu.dma_semaphore, #tpu.memory_space<semaphore_mem>>)
      %add3A_388 = arith.constant 3 : i32
      %add3A_389 = arith.addi %mul3A_258, %add3A_388 : i32
      %add3A_390 = arith.constant 6 : i32
      %add3A_391 = arith.addi %add3A_389, %add3A_390 : i32
      %lt3A_392 = arith.constant 512 : i32
      %lt3A_393 = arith.cmpi slt, %add3A_391, %lt3A_392 : i32
      %convert_element_type3A_394 = arith.extui %lt3A_393 : i1 to i32
      %cond3A_395 = arith.constant 0 : i32
      %cond3A_396 = arith.cmpi ne, %convert_element_type3A_394, %cond3A_395 : i32
      scf.if %cond3A_396 {
        %ge3A = arith.constant 8 : i32
        %ge3A_608 = arith.cmpi sge, %add3A_391, %ge3A : i32
        %convert_element_type3A_609 = arith.extui %ge3A_608 : i1 to i32
        %cond3A_610 = arith.constant 0 : i32
        %cond3A_611 = arith.cmpi ne, %convert_element_type3A_609, %cond3A_610 : i32
        scf.if %cond3A_611 {
          %dma_wait3A_626 = arith.constant 1 : i32
          %dma_wait3A_627 = arith.constant 1 : i32
          %dma_wait3A_628 = arith.constant 0 : i32
          %dma_wait3A_629 = arith.constant 0 : i32
          %dma_wait3A_630 = tpu.memref_slice %arg6[%dma_wait3A_626, %dma_wait3A_628, %dma_wait3A_629] : memref<8x50x32xf32, #tpu.memory_space<vmem>> -> memref<1x50x32xf32, #tpu.memory_space<vmem>>
          %dma_wait3A_631 = tpu.memref_squeeze %dma_wait3A_630 : memref<1x50x32xf32, #tpu.memory_space<vmem>> -> memref<50x32xf32, #tpu.memory_space<vmem>>
          %dma_wait3A_632 = arith.constant 0 : i32
          %dma_wait3A_633 = arith.constant 0 : i32
          %dma_wait3A_634 = tpu.memref_slice %arg4[%mul3A_2, %dma_wait3A_632, %dma_wait3A_633] : memref<16384x50x32xf32, #tpu.memory_space<hbm>> -> memref<1x50x32xf32, #tpu.memory_space<hbm>>
          %dma_wait3A_635 = tpu.memref_squeeze %dma_wait3A_634 : memref<1x50x32xf32, #tpu.memory_space<hbm>> -> memref<50x32xf32, #tpu.memory_space<hbm>>
          %dma_wait3A_636 = tpu.memref_slice %arg8[%dma_wait3A_627] : memref<8x!tpu.dma_semaphore, #tpu.memory_space<semaphore_mem>> -> memref<1x!tpu.dma_semaphore, #tpu.memory_space<semaphore_mem>>
          %dma_wait3A_637 = tpu.memref_squeeze %dma_wait3A_636 : memref<1x!tpu.dma_semaphore, #tpu.memory_space<semaphore_mem>> -> memref<!tpu.dma_semaphore, #tpu.memory_space<semaphore_mem>>
          %dma_wait3A_638 = arith.constant 0 : i32
          %dma_wait3A_639 = arith.constant 0 : i32
          %dma_wait3A_640 = tpu.memref_slice %arg4[%mul3A_2, %dma_wait3A_638, %dma_wait3A_639] : memref<16384x50x32xf32, #tpu.memory_space<hbm>> -> memref<1x50x32xf32, #tpu.memory_space<hbm>>
          %dma_wait3A_641 = tpu.memref_squeeze %dma_wait3A_640 : memref<1x50x32xf32, #tpu.memory_space<hbm>> -> memref<50x32xf32, #tpu.memory_space<hbm>>
          %dma_wait3A_642 = arith.constant 0 : i32
          %dma_wait3A_643 = arith.constant 0 : i32
          %dma_wait3A_644 = tpu.memref_slice %arg6[%dma_wait3A_626, %dma_wait3A_642, %dma_wait3A_643] : memref<8x50x32xf32, #tpu.memory_space<vmem>> -> memref<1x50x32xf32, #tpu.memory_space<vmem>>
          %dma_wait3A_645 = tpu.memref_squeeze %dma_wait3A_644 : memref<1x50x32xf32, #tpu.memory_space<vmem>> -> memref<50x32xf32, #tpu.memory_space<vmem>>
          tpu.wait_dma2 semaphore(%dma_wait3A_637 : memref<!tpu.dma_semaphore, #tpu.memory_space<semaphore_mem>>) src(%dma_wait3A_645 : memref<50x32xf32, #tpu.memory_space<vmem>>) dst(%dma_wait3A_641 : memref<50x32xf32, #tpu.memory_space<hbm>>)
        } else {
        }
        %dma_start3A_612 = arith.constant 1 : i32
        %dma_start3A_613 = arith.constant 1 : i32
        %dma_start3A_614 = arith.constant 0 : i32
        %dma_start3A_615 = arith.constant 0 : i32
        %dma_start3A_616 = tpu.memref_slice %arg6[%dma_start3A_612, %dma_start3A_614, %dma_start3A_615] : memref<8x50x32xf32, #tpu.memory_space<vmem>> -> memref<1x50x32xf32, #tpu.memory_space<vmem>>
        %dma_start3A_617 = tpu.memref_squeeze %dma_start3A_616 : memref<1x50x32xf32, #tpu.memory_space<vmem>> -> memref<50x32xf32, #tpu.memory_space<vmem>>
        %dma_start3A_618 = arith.constant 0 : i32
        %dma_start3A_619 = tpu.memref_slice %arg5[%add3A_391, %dma_start3A_618] : memref<512x50xi32, #tpu.memory_space<vmem>> -> memref<1x50xi32, #tpu.memory_space<vmem>>
        %dma_start3A_620 = tpu.memref_squeeze %dma_start3A_619 : memref<1x50xi32, #tpu.memory_space<vmem>> -> memref<50xi32, #tpu.memory_space<vmem>>
        %dma_start3A_621 = arith.constant 0 : i32
        %dma_start3A_622 = arith.constant 0 : i32
        %dma_start3A_623 = tpu.memref_slice %arg3[%dma_start3A_621, %dma_start3A_622] : memref<4000000x32xf32, #tpu.memory_space<hbm>> -> memref<4000000x32xf32, #tpu.memory_space<hbm>>
        %dma_start3A_624 = tpu.memref_slice %arg7[%dma_start3A_613] : memref<8x!tpu.dma_semaphore, #tpu.memory_space<semaphore_mem>> -> memref<1x!tpu.dma_semaphore, #tpu.memory_space<semaphore_mem>>
        %dma_start3A_625 = tpu.memref_squeeze %dma_start3A_624 : memref<1x!tpu.dma_semaphore, #tpu.memory_space<semaphore_mem>> -> memref<!tpu.dma_semaphore, #tpu.memory_space<semaphore_mem>>
        tpu.enqueue_indirect_dma source(%dma_start3A_623 : memref<4000000x32xf32, #tpu.memory_space<hbm>>) target(%dma_start3A_617 : memref<50x32xf32, #tpu.memory_space<vmem>>) offsets(%dma_start3A_620 : memref<50xi32, #tpu.memory_space<vmem>>) semaphore(%dma_start3A_625 : memref<!tpu.dma_semaphore, #tpu.memory_space<semaphore_mem>>)
      } else {
      }
      %dma_wait3A_397 = arith.constant 3 : i32
      %dma_wait3A_398 = arith.constant 3 : i32
      %dma_wait3A_399 = arith.constant 0 : i32
      %dma_wait3A_400 = arith.constant 0 : i32
      %dma_wait3A_401 = tpu.memref_slice %arg6[%dma_wait3A_397, %dma_wait3A_399, %dma_wait3A_400] : memref<8x50x32xf32, #tpu.memory_space<vmem>> -> memref<1x50x32xf32, #tpu.memory_space<vmem>>
      %dma_wait3A_402 = tpu.memref_squeeze %dma_wait3A_401 : memref<1x50x32xf32, #tpu.memory_space<vmem>> -> memref<50x32xf32, #tpu.memory_space<vmem>>
      %dma_wait3A_403 = arith.constant 0 : i32
      %dma_wait3A_404 = tpu.memref_slice %arg5[%add3A_389, %dma_wait3A_403] : memref<512x50xi32, #tpu.memory_space<vmem>> -> memref<1x50xi32, #tpu.memory_space<vmem>>
      %dma_wait3A_405 = tpu.memref_squeeze %dma_wait3A_404 : memref<1x50xi32, #tpu.memory_space<vmem>> -> memref<50xi32, #tpu.memory_space<vmem>>
      %dma_wait3A_406 = arith.constant 0 : i32
      %dma_wait3A_407 = arith.constant 0 : i32
      %dma_wait3A_408 = tpu.memref_slice %arg3[%dma_wait3A_406, %dma_wait3A_407] : memref<4000000x32xf32, #tpu.memory_space<hbm>> -> memref<4000000x32xf32, #tpu.memory_space<hbm>>
      %dma_wait3A_409 = tpu.memref_slice %arg7[%dma_wait3A_398] : memref<8x!tpu.dma_semaphore, #tpu.memory_space<semaphore_mem>> -> memref<1x!tpu.dma_semaphore, #tpu.memory_space<semaphore_mem>>
      %dma_wait3A_410 = tpu.memref_squeeze %dma_wait3A_409 : memref<1x!tpu.dma_semaphore, #tpu.memory_space<semaphore_mem>> -> memref<!tpu.dma_semaphore, #tpu.memory_space<semaphore_mem>>
      tpu.wait_indirect_dma semaphore(%dma_wait3A_410 : memref<!tpu.dma_semaphore, #tpu.memory_space<semaphore_mem>>) src(%dma_wait3A_408 : memref<4000000x32xf32, #tpu.memory_space<hbm>>) dst(%dma_wait3A_402 : memref<50x32xf32, #tpu.memory_space<vmem>>)
      %add3A_411 = arith.addi %mul3A_2, %add3A_389 : i32
      %dma_start3A_412 = arith.constant 3 : i32
      %dma_start3A_413 = arith.constant 3 : i32
      %dma_start3A_414 = arith.constant 0 : i32
      %dma_start3A_415 = arith.constant 0 : i32
      %dma_start3A_416 = tpu.memref_slice %arg6[%dma_start3A_412, %dma_start3A_414, %dma_start3A_415] : memref<8x50x32xf32, #tpu.memory_space<vmem>> -> memref<1x50x32xf32, #tpu.memory_space<vmem>>
      %dma_start3A_417 = tpu.memref_squeeze %dma_start3A_416 : memref<1x50x32xf32, #tpu.memory_space<vmem>> -> memref<50x32xf32, #tpu.memory_space<vmem>>
      %dma_start3A_418 = arith.constant 0 : i32
      %dma_start3A_419 = arith.constant 0 : i32
      %dma_start3A_420 = tpu.memref_slice %arg4[%add3A_411, %dma_start3A_418, %dma_start3A_419] : memref<16384x50x32xf32, #tpu.memory_space<hbm>> -> memref<1x50x32xf32, #tpu.memory_space<hbm>>
      %dma_start3A_421 = tpu.memref_squeeze %dma_start3A_420 : memref<1x50x32xf32, #tpu.memory_space<hbm>> -> memref<50x32xf32, #tpu.memory_space<hbm>>
      %dma_start3A_422 = tpu.memref_slice %arg8[%dma_start3A_413] : memref<8x!tpu.dma_semaphore, #tpu.memory_space<semaphore_mem>> -> memref<1x!tpu.dma_semaphore, #tpu.memory_space<semaphore_mem>>
      %dma_start3A_423 = tpu.memref_squeeze %dma_start3A_422 : memref<1x!tpu.dma_semaphore, #tpu.memory_space<semaphore_mem>> -> memref<!tpu.dma_semaphore, #tpu.memory_space<semaphore_mem>>
      %dma_start3A_424 = arith.constant 0 : i32
      %dma_start3A_425 = arith.constant 0 : i32
      %dma_start3A_426 = tpu.memref_slice %arg4[%add3A_411, %dma_start3A_424, %dma_start3A_425] : memref<16384x50x32xf32, #tpu.memory_space<hbm>> -> memref<1x50x32xf32, #tpu.memory_space<hbm>>
      %dma_start3A_427 = tpu.memref_squeeze %dma_start3A_426 : memref<1x50x32xf32, #tpu.memory_space<hbm>> -> memref<50x32xf32, #tpu.memory_space<hbm>>
      %dma_start3A_428 = arith.constant 0 : i32
      %dma_start3A_429 = arith.constant 0 : i32
      %dma_start3A_430 = tpu.memref_slice %arg6[%dma_start3A_412, %dma_start3A_428, %dma_start3A_429] : memref<8x50x32xf32, #tpu.memory_space<vmem>> -> memref<1x50x32xf32, #tpu.memory_space<vmem>>
      %dma_start3A_431 = tpu.memref_squeeze %dma_start3A_430 : memref<1x50x32xf32, #tpu.memory_space<vmem>> -> memref<50x32xf32, #tpu.memory_space<vmem>>
      tpu.enqueue_dma source(%dma_start3A_431 : memref<50x32xf32, #tpu.memory_space<vmem>>) target(%dma_start3A_427 : memref<50x32xf32, #tpu.memory_space<hbm>>) target_semaphore(%dma_start3A_423 : memref<!tpu.dma_semaphore, #tpu.memory_space<semaphore_mem>>)
      %add3A_432 = arith.constant 4 : i32
      %add3A_433 = arith.addi %mul3A_258, %add3A_432 : i32
      %add3A_434 = arith.constant 6 : i32
      %add3A_435 = arith.addi %add3A_433, %add3A_434 : i32
      %lt3A_436 = arith.constant 512 : i32
      %lt3A_437 = arith.cmpi slt, %add3A_435, %lt3A_436 : i32
      %convert_element_type3A_438 = arith.extui %lt3A_437 : i1 to i32
      %cond3A_439 = arith.constant 0 : i32
      %cond3A_440 = arith.cmpi ne, %convert_element_type3A_438, %cond3A_439 : i32
      scf.if %cond3A_440 {
        %ge3A = arith.constant 8 : i32
        %ge3A_608 = arith.cmpi sge, %add3A_435, %ge3A : i32
        %convert_element_type3A_609 = arith.extui %ge3A_608 : i1 to i32
        %cond3A_610 = arith.constant 0 : i32
        %cond3A_611 = arith.cmpi ne, %convert_element_type3A_609, %cond3A_610 : i32
        scf.if %cond3A_611 {
          %dma_wait3A_626 = arith.constant 2 : i32
          %dma_wait3A_627 = arith.constant 2 : i32
          %dma_wait3A_628 = arith.constant 0 : i32
          %dma_wait3A_629 = arith.constant 0 : i32
          %dma_wait3A_630 = tpu.memref_slice %arg6[%dma_wait3A_626, %dma_wait3A_628, %dma_wait3A_629] : memref<8x50x32xf32, #tpu.memory_space<vmem>> -> memref<1x50x32xf32, #tpu.memory_space<vmem>>
          %dma_wait3A_631 = tpu.memref_squeeze %dma_wait3A_630 : memref<1x50x32xf32, #tpu.memory_space<vmem>> -> memref<50x32xf32, #tpu.memory_space<vmem>>
          %dma_wait3A_632 = arith.constant 0 : i32
          %dma_wait3A_633 = arith.constant 0 : i32
          %dma_wait3A_634 = tpu.memref_slice %arg4[%mul3A_2, %dma_wait3A_632, %dma_wait3A_633] : memref<16384x50x32xf32, #tpu.memory_space<hbm>> -> memref<1x50x32xf32, #tpu.memory_space<hbm>>
          %dma_wait3A_635 = tpu.memref_squeeze %dma_wait3A_634 : memref<1x50x32xf32, #tpu.memory_space<hbm>> -> memref<50x32xf32, #tpu.memory_space<hbm>>
          %dma_wait3A_636 = tpu.memref_slice %arg8[%dma_wait3A_627] : memref<8x!tpu.dma_semaphore, #tpu.memory_space<semaphore_mem>> -> memref<1x!tpu.dma_semaphore, #tpu.memory_space<semaphore_mem>>
          %dma_wait3A_637 = tpu.memref_squeeze %dma_wait3A_636 : memref<1x!tpu.dma_semaphore, #tpu.memory_space<semaphore_mem>> -> memref<!tpu.dma_semaphore, #tpu.memory_space<semaphore_mem>>
          %dma_wait3A_638 = arith.constant 0 : i32
          %dma_wait3A_639 = arith.constant 0 : i32
          %dma_wait3A_640 = tpu.memref_slice %arg4[%mul3A_2, %dma_wait3A_638, %dma_wait3A_639] : memref<16384x50x32xf32, #tpu.memory_space<hbm>> -> memref<1x50x32xf32, #tpu.memory_space<hbm>>
          %dma_wait3A_641 = tpu.memref_squeeze %dma_wait3A_640 : memref<1x50x32xf32, #tpu.memory_space<hbm>> -> memref<50x32xf32, #tpu.memory_space<hbm>>
          %dma_wait3A_642 = arith.constant 0 : i32
          %dma_wait3A_643 = arith.constant 0 : i32
          %dma_wait3A_644 = tpu.memref_slice %arg6[%dma_wait3A_626, %dma_wait3A_642, %dma_wait3A_643] : memref<8x50x32xf32, #tpu.memory_space<vmem>> -> memref<1x50x32xf32, #tpu.memory_space<vmem>>
          %dma_wait3A_645 = tpu.memref_squeeze %dma_wait3A_644 : memref<1x50x32xf32, #tpu.memory_space<vmem>> -> memref<50x32xf32, #tpu.memory_space<vmem>>
          tpu.wait_dma2 semaphore(%dma_wait3A_637 : memref<!tpu.dma_semaphore, #tpu.memory_space<semaphore_mem>>) src(%dma_wait3A_645 : memref<50x32xf32, #tpu.memory_space<vmem>>) dst(%dma_wait3A_641 : memref<50x32xf32, #tpu.memory_space<hbm>>)
        } else {
        }
        %dma_start3A_612 = arith.constant 2 : i32
        %dma_start3A_613 = arith.constant 2 : i32
        %dma_start3A_614 = arith.constant 0 : i32
        %dma_start3A_615 = arith.constant 0 : i32
        %dma_start3A_616 = tpu.memref_slice %arg6[%dma_start3A_612, %dma_start3A_614, %dma_start3A_615] : memref<8x50x32xf32, #tpu.memory_space<vmem>> -> memref<1x50x32xf32, #tpu.memory_space<vmem>>
        %dma_start3A_617 = tpu.memref_squeeze %dma_start3A_616 : memref<1x50x32xf32, #tpu.memory_space<vmem>> -> memref<50x32xf32, #tpu.memory_space<vmem>>
        %dma_start3A_618 = arith.constant 0 : i32
        %dma_start3A_619 = tpu.memref_slice %arg5[%add3A_435, %dma_start3A_618] : memref<512x50xi32, #tpu.memory_space<vmem>> -> memref<1x50xi32, #tpu.memory_space<vmem>>
        %dma_start3A_620 = tpu.memref_squeeze %dma_start3A_619 : memref<1x50xi32, #tpu.memory_space<vmem>> -> memref<50xi32, #tpu.memory_space<vmem>>
        %dma_start3A_621 = arith.constant 0 : i32
        %dma_start3A_622 = arith.constant 0 : i32
        %dma_start3A_623 = tpu.memref_slice %arg3[%dma_start3A_621, %dma_start3A_622] : memref<4000000x32xf32, #tpu.memory_space<hbm>> -> memref<4000000x32xf32, #tpu.memory_space<hbm>>
        %dma_start3A_624 = tpu.memref_slice %arg7[%dma_start3A_613] : memref<8x!tpu.dma_semaphore, #tpu.memory_space<semaphore_mem>> -> memref<1x!tpu.dma_semaphore, #tpu.memory_space<semaphore_mem>>
        %dma_start3A_625 = tpu.memref_squeeze %dma_start3A_624 : memref<1x!tpu.dma_semaphore, #tpu.memory_space<semaphore_mem>> -> memref<!tpu.dma_semaphore, #tpu.memory_space<semaphore_mem>>
        tpu.enqueue_indirect_dma source(%dma_start3A_623 : memref<4000000x32xf32, #tpu.memory_space<hbm>>) target(%dma_start3A_617 : memref<50x32xf32, #tpu.memory_space<vmem>>) offsets(%dma_start3A_620 : memref<50xi32, #tpu.memory_space<vmem>>) semaphore(%dma_start3A_625 : memref<!tpu.dma_semaphore, #tpu.memory_space<semaphore_mem>>)
      } else {
      }
      %dma_wait3A_441 = arith.constant 4 : i32
      %dma_wait3A_442 = arith.constant 4 : i32
      %dma_wait3A_443 = arith.constant 0 : i32
      %dma_wait3A_444 = arith.constant 0 : i32
      %dma_wait3A_445 = tpu.memref_slice %arg6[%dma_wait3A_441, %dma_wait3A_443, %dma_wait3A_444] : memref<8x50x32xf32, #tpu.memory_space<vmem>> -> memref<1x50x32xf32, #tpu.memory_space<vmem>>
      %dma_wait3A_446 = tpu.memref_squeeze %dma_wait3A_445 : memref<1x50x32xf32, #tpu.memory_space<vmem>> -> memref<50x32xf32, #tpu.memory_space<vmem>>
      %dma_wait3A_447 = arith.constant 0 : i32
      %dma_wait3A_448 = tpu.memref_slice %arg5[%add3A_433, %dma_wait3A_447] : memref<512x50xi32, #tpu.memory_space<vmem>> -> memref<1x50xi32, #tpu.memory_space<vmem>>
      %dma_wait3A_449 = tpu.memref_squeeze %dma_wait3A_448 : memref<1x50xi32, #tpu.memory_space<vmem>> -> memref<50xi32, #tpu.memory_space<vmem>>
      %dma_wait3A_450 = arith.constant 0 : i32
      %dma_wait3A_451 = arith.constant 0 : i32
      %dma_wait3A_452 = tpu.memref_slice %arg3[%dma_wait3A_450, %dma_wait3A_451] : memref<4000000x32xf32, #tpu.memory_space<hbm>> -> memref<4000000x32xf32, #tpu.memory_space<hbm>>
      %dma_wait3A_453 = tpu.memref_slice %arg7[%dma_wait3A_442] : memref<8x!tpu.dma_semaphore, #tpu.memory_space<semaphore_mem>> -> memref<1x!tpu.dma_semaphore, #tpu.memory_space<semaphore_mem>>
      %dma_wait3A_454 = tpu.memref_squeeze %dma_wait3A_453 : memref<1x!tpu.dma_semaphore, #tpu.memory_space<semaphore_mem>> -> memref<!tpu.dma_semaphore, #tpu.memory_space<semaphore_mem>>
      tpu.wait_indirect_dma semaphore(%dma_wait3A_454 : memref<!tpu.dma_semaphore, #tpu.memory_space<semaphore_mem>>) src(%dma_wait3A_452 : memref<4000000x32xf32, #tpu.memory_space<hbm>>) dst(%dma_wait3A_446 : memref<50x32xf32, #tpu.memory_space<vmem>>)
      %add3A_455 = arith.addi %mul3A_2, %add3A_433 : i32
      %dma_start3A_456 = arith.constant 4 : i32
      %dma_start3A_457 = arith.constant 4 : i32
      %dma_start3A_458 = arith.constant 0 : i32
      %dma_start3A_459 = arith.constant 0 : i32
      %dma_start3A_460 = tpu.memref_slice %arg6[%dma_start3A_456, %dma_start3A_458, %dma_start3A_459] : memref<8x50x32xf32, #tpu.memory_space<vmem>> -> memref<1x50x32xf32, #tpu.memory_space<vmem>>
      %dma_start3A_461 = tpu.memref_squeeze %dma_start3A_460 : memref<1x50x32xf32, #tpu.memory_space<vmem>> -> memref<50x32xf32, #tpu.memory_space<vmem>>
      %dma_start3A_462 = arith.constant 0 : i32
      %dma_start3A_463 = arith.constant 0 : i32
      %dma_start3A_464 = tpu.memref_slice %arg4[%add3A_455, %dma_start3A_462, %dma_start3A_463] : memref<16384x50x32xf32, #tpu.memory_space<hbm>> -> memref<1x50x32xf32, #tpu.memory_space<hbm>>
      %dma_start3A_465 = tpu.memref_squeeze %dma_start3A_464 : memref<1x50x32xf32, #tpu.memory_space<hbm>> -> memref<50x32xf32, #tpu.memory_space<hbm>>
      %dma_start3A_466 = tpu.memref_slice %arg8[%dma_start3A_457] : memref<8x!tpu.dma_semaphore, #tpu.memory_space<semaphore_mem>> -> memref<1x!tpu.dma_semaphore, #tpu.memory_space<semaphore_mem>>
      %dma_start3A_467 = tpu.memref_squeeze %dma_start3A_466 : memref<1x!tpu.dma_semaphore, #tpu.memory_space<semaphore_mem>> -> memref<!tpu.dma_semaphore, #tpu.memory_space<semaphore_mem>>
      %dma_start3A_468 = arith.constant 0 : i32
      %dma_start3A_469 = arith.constant 0 : i32
      %dma_start3A_470 = tpu.memref_slice %arg4[%add3A_455, %dma_start3A_468, %dma_start3A_469] : memref<16384x50x32xf32, #tpu.memory_space<hbm>> -> memref<1x50x32xf32, #tpu.memory_space<hbm>>
      %dma_start3A_471 = tpu.memref_squeeze %dma_start3A_470 : memref<1x50x32xf32, #tpu.memory_space<hbm>> -> memref<50x32xf32, #tpu.memory_space<hbm>>
      %dma_start3A_472 = arith.constant 0 : i32
      %dma_start3A_473 = arith.constant 0 : i32
      %dma_start3A_474 = tpu.memref_slice %arg6[%dma_start3A_456, %dma_start3A_472, %dma_start3A_473] : memref<8x50x32xf32, #tpu.memory_space<vmem>> -> memref<1x50x32xf32, #tpu.memory_space<vmem>>
      %dma_start3A_475 = tpu.memref_squeeze %dma_start3A_474 : memref<1x50x32xf32, #tpu.memory_space<vmem>> -> memref<50x32xf32, #tpu.memory_space<vmem>>
      tpu.enqueue_dma source(%dma_start3A_475 : memref<50x32xf32, #tpu.memory_space<vmem>>) target(%dma_start3A_471 : memref<50x32xf32, #tpu.memory_space<hbm>>) target_semaphore(%dma_start3A_467 : memref<!tpu.dma_semaphore, #tpu.memory_space<semaphore_mem>>)
      %add3A_476 = arith.constant 5 : i32
      %add3A_477 = arith.addi %mul3A_258, %add3A_476 : i32
      %add3A_478 = arith.constant 6 : i32
      %add3A_479 = arith.addi %add3A_477, %add3A_478 : i32
      %lt3A_480 = arith.constant 512 : i32
      %lt3A_481 = arith.cmpi slt, %add3A_479, %lt3A_480 : i32
      %convert_element_type3A_482 = arith.extui %lt3A_481 : i1 to i32
      %cond3A_483 = arith.constant 0 : i32
      %cond3A_484 = arith.cmpi ne, %convert_element_type3A_482, %cond3A_483 : i32
      scf.if %cond3A_484 {
        %ge3A = arith.constant 8 : i32
        %ge3A_608 = arith.cmpi sge, %add3A_479, %ge3A : i32
        %convert_element_type3A_609 = arith.extui %ge3A_608 : i1 to i32
        %cond3A_610 = arith.constant 0 : i32
        %cond3A_611 = arith.cmpi ne, %convert_element_type3A_609, %cond3A_610 : i32
        scf.if %cond3A_611 {
          %dma_wait3A_626 = arith.constant 3 : i32
          %dma_wait3A_627 = arith.constant 3 : i32
          %dma_wait3A_628 = arith.constant 0 : i32
          %dma_wait3A_629 = arith.constant 0 : i32
          %dma_wait3A_630 = tpu.memref_slice %arg6[%dma_wait3A_626, %dma_wait3A_628, %dma_wait3A_629] : memref<8x50x32xf32, #tpu.memory_space<vmem>> -> memref<1x50x32xf32, #tpu.memory_space<vmem>>
          %dma_wait3A_631 = tpu.memref_squeeze %dma_wait3A_630 : memref<1x50x32xf32, #tpu.memory_space<vmem>> -> memref<50x32xf32, #tpu.memory_space<vmem>>
          %dma_wait3A_632 = arith.constant 0 : i32
          %dma_wait3A_633 = arith.constant 0 : i32
          %dma_wait3A_634 = tpu.memref_slice %arg4[%mul3A_2, %dma_wait3A_632, %dma_wait3A_633] : memref<16384x50x32xf32, #tpu.memory_space<hbm>> -> memref<1x50x32xf32, #tpu.memory_space<hbm>>
          %dma_wait3A_635 = tpu.memref_squeeze %dma_wait3A_634 : memref<1x50x32xf32, #tpu.memory_space<hbm>> -> memref<50x32xf32, #tpu.memory_space<hbm>>
          %dma_wait3A_636 = tpu.memref_slice %arg8[%dma_wait3A_627] : memref<8x!tpu.dma_semaphore, #tpu.memory_space<semaphore_mem>> -> memref<1x!tpu.dma_semaphore, #tpu.memory_space<semaphore_mem>>
          %dma_wait3A_637 = tpu.memref_squeeze %dma_wait3A_636 : memref<1x!tpu.dma_semaphore, #tpu.memory_space<semaphore_mem>> -> memref<!tpu.dma_semaphore, #tpu.memory_space<semaphore_mem>>
          %dma_wait3A_638 = arith.constant 0 : i32
          %dma_wait3A_639 = arith.constant 0 : i32
          %dma_wait3A_640 = tpu.memref_slice %arg4[%mul3A_2, %dma_wait3A_638, %dma_wait3A_639] : memref<16384x50x32xf32, #tpu.memory_space<hbm>> -> memref<1x50x32xf32, #tpu.memory_space<hbm>>
          %dma_wait3A_641 = tpu.memref_squeeze %dma_wait3A_640 : memref<1x50x32xf32, #tpu.memory_space<hbm>> -> memref<50x32xf32, #tpu.memory_space<hbm>>
          %dma_wait3A_642 = arith.constant 0 : i32
          %dma_wait3A_643 = arith.constant 0 : i32
          %dma_wait3A_644 = tpu.memref_slice %arg6[%dma_wait3A_626, %dma_wait3A_642, %dma_wait3A_643] : memref<8x50x32xf32, #tpu.memory_space<vmem>> -> memref<1x50x32xf32, #tpu.memory_space<vmem>>
          %dma_wait3A_645 = tpu.memref_squeeze %dma_wait3A_644 : memref<1x50x32xf32, #tpu.memory_space<vmem>> -> memref<50x32xf32, #tpu.memory_space<vmem>>
          tpu.wait_dma2 semaphore(%dma_wait3A_637 : memref<!tpu.dma_semaphore, #tpu.memory_space<semaphore_mem>>) src(%dma_wait3A_645 : memref<50x32xf32, #tpu.memory_space<vmem>>) dst(%dma_wait3A_641 : memref<50x32xf32, #tpu.memory_space<hbm>>)
        } else {
        }
        %dma_start3A_612 = arith.constant 3 : i32
        %dma_start3A_613 = arith.constant 3 : i32
        %dma_start3A_614 = arith.constant 0 : i32
        %dma_start3A_615 = arith.constant 0 : i32
        %dma_start3A_616 = tpu.memref_slice %arg6[%dma_start3A_612, %dma_start3A_614, %dma_start3A_615] : memref<8x50x32xf32, #tpu.memory_space<vmem>> -> memref<1x50x32xf32, #tpu.memory_space<vmem>>
        %dma_start3A_617 = tpu.memref_squeeze %dma_start3A_616 : memref<1x50x32xf32, #tpu.memory_space<vmem>> -> memref<50x32xf32, #tpu.memory_space<vmem>>
        %dma_start3A_618 = arith.constant 0 : i32
        %dma_start3A_619 = tpu.memref_slice %arg5[%add3A_479, %dma_start3A_618] : memref<512x50xi32, #tpu.memory_space<vmem>> -> memref<1x50xi32, #tpu.memory_space<vmem>>
        %dma_start3A_620 = tpu.memref_squeeze %dma_start3A_619 : memref<1x50xi32, #tpu.memory_space<vmem>> -> memref<50xi32, #tpu.memory_space<vmem>>
        %dma_start3A_621 = arith.constant 0 : i32
        %dma_start3A_622 = arith.constant 0 : i32
        %dma_start3A_623 = tpu.memref_slice %arg3[%dma_start3A_621, %dma_start3A_622] : memref<4000000x32xf32, #tpu.memory_space<hbm>> -> memref<4000000x32xf32, #tpu.memory_space<hbm>>
        %dma_start3A_624 = tpu.memref_slice %arg7[%dma_start3A_613] : memref<8x!tpu.dma_semaphore, #tpu.memory_space<semaphore_mem>> -> memref<1x!tpu.dma_semaphore, #tpu.memory_space<semaphore_mem>>
        %dma_start3A_625 = tpu.memref_squeeze %dma_start3A_624 : memref<1x!tpu.dma_semaphore, #tpu.memory_space<semaphore_mem>> -> memref<!tpu.dma_semaphore, #tpu.memory_space<semaphore_mem>>
        tpu.enqueue_indirect_dma source(%dma_start3A_623 : memref<4000000x32xf32, #tpu.memory_space<hbm>>) target(%dma_start3A_617 : memref<50x32xf32, #tpu.memory_space<vmem>>) offsets(%dma_start3A_620 : memref<50xi32, #tpu.memory_space<vmem>>) semaphore(%dma_start3A_625 : memref<!tpu.dma_semaphore, #tpu.memory_space<semaphore_mem>>)
      } else {
      }
      %dma_wait3A_485 = arith.constant 5 : i32
      %dma_wait3A_486 = arith.constant 5 : i32
      %dma_wait3A_487 = arith.constant 0 : i32
      %dma_wait3A_488 = arith.constant 0 : i32
      %dma_wait3A_489 = tpu.memref_slice %arg6[%dma_wait3A_485, %dma_wait3A_487, %dma_wait3A_488] : memref<8x50x32xf32, #tpu.memory_space<vmem>> -> memref<1x50x32xf32, #tpu.memory_space<vmem>>
      %dma_wait3A_490 = tpu.memref_squeeze %dma_wait3A_489 : memref<1x50x32xf32, #tpu.memory_space<vmem>> -> memref<50x32xf32, #tpu.memory_space<vmem>>
      %dma_wait3A_491 = arith.constant 0 : i32
      %dma_wait3A_492 = tpu.memref_slice %arg5[%add3A_477, %dma_wait3A_491] : memref<512x50xi32, #tpu.memory_space<vmem>> -> memref<1x50xi32, #tpu.memory_space<vmem>>
      %dma_wait3A_493 = tpu.memref_squeeze %dma_wait3A_492 : memref<1x50xi32, #tpu.memory_space<vmem>> -> memref<50xi32, #tpu.memory_space<vmem>>
      %dma_wait3A_494 = arith.constant 0 : i32
      %dma_wait3A_495 = arith.constant 0 : i32
      %dma_wait3A_496 = tpu.memref_slice %arg3[%dma_wait3A_494, %dma_wait3A_495] : memref<4000000x32xf32, #tpu.memory_space<hbm>> -> memref<4000000x32xf32, #tpu.memory_space<hbm>>
      %dma_wait3A_497 = tpu.memref_slice %arg7[%dma_wait3A_486] : memref<8x!tpu.dma_semaphore, #tpu.memory_space<semaphore_mem>> -> memref<1x!tpu.dma_semaphore, #tpu.memory_space<semaphore_mem>>
      %dma_wait3A_498 = tpu.memref_squeeze %dma_wait3A_497 : memref<1x!tpu.dma_semaphore, #tpu.memory_space<semaphore_mem>> -> memref<!tpu.dma_semaphore, #tpu.memory_space<semaphore_mem>>
      tpu.wait_indirect_dma semaphore(%dma_wait3A_498 : memref<!tpu.dma_semaphore, #tpu.memory_space<semaphore_mem>>) src(%dma_wait3A_496 : memref<4000000x32xf32, #tpu.memory_space<hbm>>) dst(%dma_wait3A_490 : memref<50x32xf32, #tpu.memory_space<vmem>>)
      %add3A_499 = arith.addi %mul3A_2, %add3A_477 : i32
      %dma_start3A_500 = arith.constant 5 : i32
      %dma_start3A_501 = arith.constant 5 : i32
      %dma_start3A_502 = arith.constant 0 : i32
      %dma_start3A_503 = arith.constant 0 : i32
      %dma_start3A_504 = tpu.memref_slice %arg6[%dma_start3A_500, %dma_start3A_502, %dma_start3A_503] : memref<8x50x32xf32, #tpu.memory_space<vmem>> -> memref<1x50x32xf32, #tpu.memory_space<vmem>>
      %dma_start3A_505 = tpu.memref_squeeze %dma_start3A_504 : memref<1x50x32xf32, #tpu.memory_space<vmem>> -> memref<50x32xf32, #tpu.memory_space<vmem>>
      %dma_start3A_506 = arith.constant 0 : i32
      %dma_start3A_507 = arith.constant 0 : i32
      %dma_start3A_508 = tpu.memref_slice %arg4[%add3A_499, %dma_start3A_506, %dma_start3A_507] : memref<16384x50x32xf32, #tpu.memory_space<hbm>> -> memref<1x50x32xf32, #tpu.memory_space<hbm>>
      %dma_start3A_509 = tpu.memref_squeeze %dma_start3A_508 : memref<1x50x32xf32, #tpu.memory_space<hbm>> -> memref<50x32xf32, #tpu.memory_space<hbm>>
      %dma_start3A_510 = tpu.memref_slice %arg8[%dma_start3A_501] : memref<8x!tpu.dma_semaphore, #tpu.memory_space<semaphore_mem>> -> memref<1x!tpu.dma_semaphore, #tpu.memory_space<semaphore_mem>>
      %dma_start3A_511 = tpu.memref_squeeze %dma_start3A_510 : memref<1x!tpu.dma_semaphore, #tpu.memory_space<semaphore_mem>> -> memref<!tpu.dma_semaphore, #tpu.memory_space<semaphore_mem>>
      %dma_start3A_512 = arith.constant 0 : i32
      %dma_start3A_513 = arith.constant 0 : i32
      %dma_start3A_514 = tpu.memref_slice %arg4[%add3A_499, %dma_start3A_512, %dma_start3A_513] : memref<16384x50x32xf32, #tpu.memory_space<hbm>> -> memref<1x50x32xf32, #tpu.memory_space<hbm>>
      %dma_start3A_515 = tpu.memref_squeeze %dma_start3A_514 : memref<1x50x32xf32, #tpu.memory_space<hbm>> -> memref<50x32xf32, #tpu.memory_space<hbm>>
      %dma_start3A_516 = arith.constant 0 : i32
      %dma_start3A_517 = arith.constant 0 : i32
      %dma_start3A_518 = tpu.memref_slice %arg6[%dma_start3A_500, %dma_start3A_516, %dma_start3A_517] : memref<8x50x32xf32, #tpu.memory_space<vmem>> -> memref<1x50x32xf32, #tpu.memory_space<vmem>>
      %dma_start3A_519 = tpu.memref_squeeze %dma_start3A_518 : memref<1x50x32xf32, #tpu.memory_space<vmem>> -> memref<50x32xf32, #tpu.memory_space<vmem>>
      tpu.enqueue_dma source(%dma_start3A_519 : memref<50x32xf32, #tpu.memory_space<vmem>>) target(%dma_start3A_515 : memref<50x32xf32, #tpu.memory_space<hbm>>) target_semaphore(%dma_start3A_511 : memref<!tpu.dma_semaphore, #tpu.memory_space<semaphore_mem>>)
      %add3A_520 = arith.constant 6 : i32
      %add3A_521 = arith.addi %mul3A_258, %add3A_520 : i32
      %add3A_522 = arith.constant 6 : i32
      %add3A_523 = arith.addi %add3A_521, %add3A_522 : i32
      %lt3A_524 = arith.constant 512 : i32
      %lt3A_525 = arith.cmpi slt, %add3A_523, %lt3A_524 : i32
      %convert_element_type3A_526 = arith.extui %lt3A_525 : i1 to i32
      %cond3A_527 = arith.constant 0 : i32
      %cond3A_528 = arith.cmpi ne, %convert_element_type3A_526, %cond3A_527 : i32
      scf.if %cond3A_528 {
        %ge3A = arith.constant 8 : i32
        %ge3A_608 = arith.cmpi sge, %add3A_523, %ge3A : i32
        %convert_element_type3A_609 = arith.extui %ge3A_608 : i1 to i32
        %cond3A_610 = arith.constant 0 : i32
        %cond3A_611 = arith.cmpi ne, %convert_element_type3A_609, %cond3A_610 : i32
        scf.if %cond3A_611 {
          %dma_wait3A_626 = arith.constant 4 : i32
          %dma_wait3A_627 = arith.constant 4 : i32
          %dma_wait3A_628 = arith.constant 0 : i32
          %dma_wait3A_629 = arith.constant 0 : i32
          %dma_wait3A_630 = tpu.memref_slice %arg6[%dma_wait3A_626, %dma_wait3A_628, %dma_wait3A_629] : memref<8x50x32xf32, #tpu.memory_space<vmem>> -> memref<1x50x32xf32, #tpu.memory_space<vmem>>
          %dma_wait3A_631 = tpu.memref_squeeze %dma_wait3A_630 : memref<1x50x32xf32, #tpu.memory_space<vmem>> -> memref<50x32xf32, #tpu.memory_space<vmem>>
          %dma_wait3A_632 = arith.constant 0 : i32
          %dma_wait3A_633 = arith.constant 0 : i32
          %dma_wait3A_634 = tpu.memref_slice %arg4[%mul3A_2, %dma_wait3A_632, %dma_wait3A_633] : memref<16384x50x32xf32, #tpu.memory_space<hbm>> -> memref<1x50x32xf32, #tpu.memory_space<hbm>>
          %dma_wait3A_635 = tpu.memref_squeeze %dma_wait3A_634 : memref<1x50x32xf32, #tpu.memory_space<hbm>> -> memref<50x32xf32, #tpu.memory_space<hbm>>
          %dma_wait3A_636 = tpu.memref_slice %arg8[%dma_wait3A_627] : memref<8x!tpu.dma_semaphore, #tpu.memory_space<semaphore_mem>> -> memref<1x!tpu.dma_semaphore, #tpu.memory_space<semaphore_mem>>
          %dma_wait3A_637 = tpu.memref_squeeze %dma_wait3A_636 : memref<1x!tpu.dma_semaphore, #tpu.memory_space<semaphore_mem>> -> memref<!tpu.dma_semaphore, #tpu.memory_space<semaphore_mem>>
          %dma_wait3A_638 = arith.constant 0 : i32
          %dma_wait3A_639 = arith.constant 0 : i32
          %dma_wait3A_640 = tpu.memref_slice %arg4[%mul3A_2, %dma_wait3A_638, %dma_wait3A_639] : memref<16384x50x32xf32, #tpu.memory_space<hbm>> -> memref<1x50x32xf32, #tpu.memory_space<hbm>>
          %dma_wait3A_641 = tpu.memref_squeeze %dma_wait3A_640 : memref<1x50x32xf32, #tpu.memory_space<hbm>> -> memref<50x32xf32, #tpu.memory_space<hbm>>
          %dma_wait3A_642 = arith.constant 0 : i32
          %dma_wait3A_643 = arith.constant 0 : i32
          %dma_wait3A_644 = tpu.memref_slice %arg6[%dma_wait3A_626, %dma_wait3A_642, %dma_wait3A_643] : memref<8x50x32xf32, #tpu.memory_space<vmem>> -> memref<1x50x32xf32, #tpu.memory_space<vmem>>
          %dma_wait3A_645 = tpu.memref_squeeze %dma_wait3A_644 : memref<1x50x32xf32, #tpu.memory_space<vmem>> -> memref<50x32xf32, #tpu.memory_space<vmem>>
          tpu.wait_dma2 semaphore(%dma_wait3A_637 : memref<!tpu.dma_semaphore, #tpu.memory_space<semaphore_mem>>) src(%dma_wait3A_645 : memref<50x32xf32, #tpu.memory_space<vmem>>) dst(%dma_wait3A_641 : memref<50x32xf32, #tpu.memory_space<hbm>>)
        } else {
        }
        %dma_start3A_612 = arith.constant 4 : i32
        %dma_start3A_613 = arith.constant 4 : i32
        %dma_start3A_614 = arith.constant 0 : i32
        %dma_start3A_615 = arith.constant 0 : i32
        %dma_start3A_616 = tpu.memref_slice %arg6[%dma_start3A_612, %dma_start3A_614, %dma_start3A_615] : memref<8x50x32xf32, #tpu.memory_space<vmem>> -> memref<1x50x32xf32, #tpu.memory_space<vmem>>
        %dma_start3A_617 = tpu.memref_squeeze %dma_start3A_616 : memref<1x50x32xf32, #tpu.memory_space<vmem>> -> memref<50x32xf32, #tpu.memory_space<vmem>>
        %dma_start3A_618 = arith.constant 0 : i32
        %dma_start3A_619 = tpu.memref_slice %arg5[%add3A_523, %dma_start3A_618] : memref<512x50xi32, #tpu.memory_space<vmem>> -> memref<1x50xi32, #tpu.memory_space<vmem>>
        %dma_start3A_620 = tpu.memref_squeeze %dma_start3A_619 : memref<1x50xi32, #tpu.memory_space<vmem>> -> memref<50xi32, #tpu.memory_space<vmem>>
        %dma_start3A_621 = arith.constant 0 : i32
        %dma_start3A_622 = arith.constant 0 : i32
        %dma_start3A_623 = tpu.memref_slice %arg3[%dma_start3A_621, %dma_start3A_622] : memref<4000000x32xf32, #tpu.memory_space<hbm>> -> memref<4000000x32xf32, #tpu.memory_space<hbm>>
        %dma_start3A_624 = tpu.memref_slice %arg7[%dma_start3A_613] : memref<8x!tpu.dma_semaphore, #tpu.memory_space<semaphore_mem>> -> memref<1x!tpu.dma_semaphore, #tpu.memory_space<semaphore_mem>>
        %dma_start3A_625 = tpu.memref_squeeze %dma_start3A_624 : memref<1x!tpu.dma_semaphore, #tpu.memory_space<semaphore_mem>> -> memref<!tpu.dma_semaphore, #tpu.memory_space<semaphore_mem>>
        tpu.enqueue_indirect_dma source(%dma_start3A_623 : memref<4000000x32xf32, #tpu.memory_space<hbm>>) target(%dma_start3A_617 : memref<50x32xf32, #tpu.memory_space<vmem>>) offsets(%dma_start3A_620 : memref<50xi32, #tpu.memory_space<vmem>>) semaphore(%dma_start3A_625 : memref<!tpu.dma_semaphore, #tpu.memory_space<semaphore_mem>>)
      } else {
      }
      %dma_wait3A_529 = arith.constant 6 : i32
      %dma_wait3A_530 = arith.constant 6 : i32
      %dma_wait3A_531 = arith.constant 0 : i32
      %dma_wait3A_532 = arith.constant 0 : i32
      %dma_wait3A_533 = tpu.memref_slice %arg6[%dma_wait3A_529, %dma_wait3A_531, %dma_wait3A_532] : memref<8x50x32xf32, #tpu.memory_space<vmem>> -> memref<1x50x32xf32, #tpu.memory_space<vmem>>
      %dma_wait3A_534 = tpu.memref_squeeze %dma_wait3A_533 : memref<1x50x32xf32, #tpu.memory_space<vmem>> -> memref<50x32xf32, #tpu.memory_space<vmem>>
      %dma_wait3A_535 = arith.constant 0 : i32
      %dma_wait3A_536 = tpu.memref_slice %arg5[%add3A_521, %dma_wait3A_535] : memref<512x50xi32, #tpu.memory_space<vmem>> -> memref<1x50xi32, #tpu.memory_space<vmem>>
      %dma_wait3A_537 = tpu.memref_squeeze %dma_wait3A_536 : memref<1x50xi32, #tpu.memory_space<vmem>> -> memref<50xi32, #tpu.memory_space<vmem>>
      %dma_wait3A_538 = arith.constant 0 : i32
      %dma_wait3A_539 = arith.constant 0 : i32
      %dma_wait3A_540 = tpu.memref_slice %arg3[%dma_wait3A_538, %dma_wait3A_539] : memref<4000000x32xf32, #tpu.memory_space<hbm>> -> memref<4000000x32xf32, #tpu.memory_space<hbm>>
      %dma_wait3A_541 = tpu.memref_slice %arg7[%dma_wait3A_530] : memref<8x!tpu.dma_semaphore, #tpu.memory_space<semaphore_mem>> -> memref<1x!tpu.dma_semaphore, #tpu.memory_space<semaphore_mem>>
      %dma_wait3A_542 = tpu.memref_squeeze %dma_wait3A_541 : memref<1x!tpu.dma_semaphore, #tpu.memory_space<semaphore_mem>> -> memref<!tpu.dma_semaphore, #tpu.memory_space<semaphore_mem>>
      tpu.wait_indirect_dma semaphore(%dma_wait3A_542 : memref<!tpu.dma_semaphore, #tpu.memory_space<semaphore_mem>>) src(%dma_wait3A_540 : memref<4000000x32xf32, #tpu.memory_space<hbm>>) dst(%dma_wait3A_534 : memref<50x32xf32, #tpu.memory_space<vmem>>)
      %add3A_543 = arith.addi %mul3A_2, %add3A_521 : i32
      %dma_start3A_544 = arith.constant 6 : i32
      %dma_start3A_545 = arith.constant 6 : i32
      %dma_start3A_546 = arith.constant 0 : i32
      %dma_start3A_547 = arith.constant 0 : i32
      %dma_start3A_548 = tpu.memref_slice %arg6[%dma_start3A_544, %dma_start3A_546, %dma_start3A_547] : memref<8x50x32xf32, #tpu.memory_space<vmem>> -> memref<1x50x32xf32, #tpu.memory_space<vmem>>
      %dma_start3A_549 = tpu.memref_squeeze %dma_start3A_548 : memref<1x50x32xf32, #tpu.memory_space<vmem>> -> memref<50x32xf32, #tpu.memory_space<vmem>>
      %dma_start3A_550 = arith.constant 0 : i32
      %dma_start3A_551 = arith.constant 0 : i32
      %dma_start3A_552 = tpu.memref_slice %arg4[%add3A_543, %dma_start3A_550, %dma_start3A_551] : memref<16384x50x32xf32, #tpu.memory_space<hbm>> -> memref<1x50x32xf32, #tpu.memory_space<hbm>>
      %dma_start3A_553 = tpu.memref_squeeze %dma_start3A_552 : memref<1x50x32xf32, #tpu.memory_space<hbm>> -> memref<50x32xf32, #tpu.memory_space<hbm>>
      %dma_start3A_554 = tpu.memref_slice %arg8[%dma_start3A_545] : memref<8x!tpu.dma_semaphore, #tpu.memory_space<semaphore_mem>> -> memref<1x!tpu.dma_semaphore, #tpu.memory_space<semaphore_mem>>
      %dma_start3A_555 = tpu.memref_squeeze %dma_start3A_554 : memref<1x!tpu.dma_semaphore, #tpu.memory_space<semaphore_mem>> -> memref<!tpu.dma_semaphore, #tpu.memory_space<semaphore_mem>>
      %dma_start3A_556 = arith.constant 0 : i32
      %dma_start3A_557 = arith.constant 0 : i32
      %dma_start3A_558 = tpu.memref_slice %arg4[%add3A_543, %dma_start3A_556, %dma_start3A_557] : memref<16384x50x32xf32, #tpu.memory_space<hbm>> -> memref<1x50x32xf32, #tpu.memory_space<hbm>>
      %dma_start3A_559 = tpu.memref_squeeze %dma_start3A_558 : memref<1x50x32xf32, #tpu.memory_space<hbm>> -> memref<50x32xf32, #tpu.memory_space<hbm>>
      %dma_start3A_560 = arith.constant 0 : i32
      %dma_start3A_561 = arith.constant 0 : i32
      %dma_start3A_562 = tpu.memref_slice %arg6[%dma_start3A_544, %dma_start3A_560, %dma_start3A_561] : memref<8x50x32xf32, #tpu.memory_space<vmem>> -> memref<1x50x32xf32, #tpu.memory_space<vmem>>
      %dma_start3A_563 = tpu.memref_squeeze %dma_start3A_562 : memref<1x50x32xf32, #tpu.memory_space<vmem>> -> memref<50x32xf32, #tpu.memory_space<vmem>>
      tpu.enqueue_dma source(%dma_start3A_563 : memref<50x32xf32, #tpu.memory_space<vmem>>) target(%dma_start3A_559 : memref<50x32xf32, #tpu.memory_space<hbm>>) target_semaphore(%dma_start3A_555 : memref<!tpu.dma_semaphore, #tpu.memory_space<semaphore_mem>>)
      %add3A_564 = arith.constant 7 : i32
      %add3A_565 = arith.addi %mul3A_258, %add3A_564 : i32
      %add3A_566 = arith.constant 6 : i32
      %add3A_567 = arith.addi %add3A_565, %add3A_566 : i32
      %lt3A_568 = arith.constant 512 : i32
      %lt3A_569 = arith.cmpi slt, %add3A_567, %lt3A_568 : i32
      %convert_element_type3A_570 = arith.extui %lt3A_569 : i1 to i32
      %cond3A_571 = arith.constant 0 : i32
      %cond3A_572 = arith.cmpi ne, %convert_element_type3A_570, %cond3A_571 : i32
      scf.if %cond3A_572 {
        %ge3A = arith.constant 8 : i32
        %ge3A_608 = arith.cmpi sge, %add3A_567, %ge3A : i32
        %convert_element_type3A_609 = arith.extui %ge3A_608 : i1 to i32
        %cond3A_610 = arith.constant 0 : i32
        %cond3A_611 = arith.cmpi ne, %convert_element_type3A_609, %cond3A_610 : i32
        scf.if %cond3A_611 {
          %dma_wait3A_626 = arith.constant 5 : i32
          %dma_wait3A_627 = arith.constant 5 : i32
          %dma_wait3A_628 = arith.constant 0 : i32
          %dma_wait3A_629 = arith.constant 0 : i32
          %dma_wait3A_630 = tpu.memref_slice %arg6[%dma_wait3A_626, %dma_wait3A_628, %dma_wait3A_629] : memref<8x50x32xf32, #tpu.memory_space<vmem>> -> memref<1x50x32xf32, #tpu.memory_space<vmem>>
          %dma_wait3A_631 = tpu.memref_squeeze %dma_wait3A_630 : memref<1x50x32xf32, #tpu.memory_space<vmem>> -> memref<50x32xf32, #tpu.memory_space<vmem>>
          %dma_wait3A_632 = arith.constant 0 : i32
          %dma_wait3A_633 = arith.constant 0 : i32
          %dma_wait3A_634 = tpu.memref_slice %arg4[%mul3A_2, %dma_wait3A_632, %dma_wait3A_633] : memref<16384x50x32xf32, #tpu.memory_space<hbm>> -> memref<1x50x32xf32, #tpu.memory_space<hbm>>
          %dma_wait3A_635 = tpu.memref_squeeze %dma_wait3A_634 : memref<1x50x32xf32, #tpu.memory_space<hbm>> -> memref<50x32xf32, #tpu.memory_space<hbm>>
          %dma_wait3A_636 = tpu.memref_slice %arg8[%dma_wait3A_627] : memref<8x!tpu.dma_semaphore, #tpu.memory_space<semaphore_mem>> -> memref<1x!tpu.dma_semaphore, #tpu.memory_space<semaphore_mem>>
          %dma_wait3A_637 = tpu.memref_squeeze %dma_wait3A_636 : memref<1x!tpu.dma_semaphore, #tpu.memory_space<semaphore_mem>> -> memref<!tpu.dma_semaphore, #tpu.memory_space<semaphore_mem>>
          %dma_wait3A_638 = arith.constant 0 : i32
          %dma_wait3A_639 = arith.constant 0 : i32
          %dma_wait3A_640 = tpu.memref_slice %arg4[%mul3A_2, %dma_wait3A_638, %dma_wait3A_639] : memref<16384x50x32xf32, #tpu.memory_space<hbm>> -> memref<1x50x32xf32, #tpu.memory_space<hbm>>
          %dma_wait3A_641 = tpu.memref_squeeze %dma_wait3A_640 : memref<1x50x32xf32, #tpu.memory_space<hbm>> -> memref<50x32xf32, #tpu.memory_space<hbm>>
          %dma_wait3A_642 = arith.constant 0 : i32
          %dma_wait3A_643 = arith.constant 0 : i32
          %dma_wait3A_644 = tpu.memref_slice %arg6[%dma_wait3A_626, %dma_wait3A_642, %dma_wait3A_643] : memref<8x50x32xf32, #tpu.memory_space<vmem>> -> memref<1x50x32xf32, #tpu.memory_space<vmem>>
          %dma_wait3A_645 = tpu.memref_squeeze %dma_wait3A_644 : memref<1x50x32xf32, #tpu.memory_space<vmem>> -> memref<50x32xf32, #tpu.memory_space<vmem>>
          tpu.wait_dma2 semaphore(%dma_wait3A_637 : memref<!tpu.dma_semaphore, #tpu.memory_space<semaphore_mem>>) src(%dma_wait3A_645 : memref<50x32xf32, #tpu.memory_space<vmem>>) dst(%dma_wait3A_641 : memref<50x32xf32, #tpu.memory_space<hbm>>)
        } else {
        }
        %dma_start3A_612 = arith.constant 5 : i32
        %dma_start3A_613 = arith.constant 5 : i32
        %dma_start3A_614 = arith.constant 0 : i32
        %dma_start3A_615 = arith.constant 0 : i32
        %dma_start3A_616 = tpu.memref_slice %arg6[%dma_start3A_612, %dma_start3A_614, %dma_start3A_615] : memref<8x50x32xf32, #tpu.memory_space<vmem>> -> memref<1x50x32xf32, #tpu.memory_space<vmem>>
        %dma_start3A_617 = tpu.memref_squeeze %dma_start3A_616 : memref<1x50x32xf32, #tpu.memory_space<vmem>> -> memref<50x32xf32, #tpu.memory_space<vmem>>
        %dma_start3A_618 = arith.constant 0 : i32
        %dma_start3A_619 = tpu.memref_slice %arg5[%add3A_567, %dma_start3A_618] : memref<512x50xi32, #tpu.memory_space<vmem>> -> memref<1x50xi32, #tpu.memory_space<vmem>>
        %dma_start3A_620 = tpu.memref_squeeze %dma_start3A_619 : memref<1x50xi32, #tpu.memory_space<vmem>> -> memref<50xi32, #tpu.memory_space<vmem>>
        %dma_start3A_621 = arith.constant 0 : i32
        %dma_start3A_622 = arith.constant 0 : i32
        %dma_start3A_623 = tpu.memref_slice %arg3[%dma_start3A_621, %dma_start3A_622] : memref<4000000x32xf32, #tpu.memory_space<hbm>> -> memref<4000000x32xf32, #tpu.memory_space<hbm>>
        %dma_start3A_624 = tpu.memref_slice %arg7[%dma_start3A_613] : memref<8x!tpu.dma_semaphore, #tpu.memory_space<semaphore_mem>> -> memref<1x!tpu.dma_semaphore, #tpu.memory_space<semaphore_mem>>
        %dma_start3A_625 = tpu.memref_squeeze %dma_start3A_624 : memref<1x!tpu.dma_semaphore, #tpu.memory_space<semaphore_mem>> -> memref<!tpu.dma_semaphore, #tpu.memory_space<semaphore_mem>>
        tpu.enqueue_indirect_dma source(%dma_start3A_623 : memref<4000000x32xf32, #tpu.memory_space<hbm>>) target(%dma_start3A_617 : memref<50x32xf32, #tpu.memory_space<vmem>>) offsets(%dma_start3A_620 : memref<50xi32, #tpu.memory_space<vmem>>) semaphore(%dma_start3A_625 : memref<!tpu.dma_semaphore, #tpu.memory_space<semaphore_mem>>)
      } else {
      }
      %dma_wait3A_573 = arith.constant 7 : i32
      %dma_wait3A_574 = arith.constant 7 : i32
      %dma_wait3A_575 = arith.constant 0 : i32
      %dma_wait3A_576 = arith.constant 0 : i32
      %dma_wait3A_577 = tpu.memref_slice %arg6[%dma_wait3A_573, %dma_wait3A_575, %dma_wait3A_576] : memref<8x50x32xf32, #tpu.memory_space<vmem>> -> memref<1x50x32xf32, #tpu.memory_space<vmem>>
      %dma_wait3A_578 = tpu.memref_squeeze %dma_wait3A_577 : memref<1x50x32xf32, #tpu.memory_space<vmem>> -> memref<50x32xf32, #tpu.memory_space<vmem>>
      %dma_wait3A_579 = arith.constant 0 : i32
      %dma_wait3A_580 = tpu.memref_slice %arg5[%add3A_565, %dma_wait3A_579] : memref<512x50xi32, #tpu.memory_space<vmem>> -> memref<1x50xi32, #tpu.memory_space<vmem>>
      %dma_wait3A_581 = tpu.memref_squeeze %dma_wait3A_580 : memref<1x50xi32, #tpu.memory_space<vmem>> -> memref<50xi32, #tpu.memory_space<vmem>>
      %dma_wait3A_582 = arith.constant 0 : i32
      %dma_wait3A_583 = arith.constant 0 : i32
      %dma_wait3A_584 = tpu.memref_slice %arg3[%dma_wait3A_582, %dma_wait3A_583] : memref<4000000x32xf32, #tpu.memory_space<hbm>> -> memref<4000000x32xf32, #tpu.memory_space<hbm>>
      %dma_wait3A_585 = tpu.memref_slice %arg7[%dma_wait3A_574] : memref<8x!tpu.dma_semaphore, #tpu.memory_space<semaphore_mem>> -> memref<1x!tpu.dma_semaphore, #tpu.memory_space<semaphore_mem>>
      %dma_wait3A_586 = tpu.memref_squeeze %dma_wait3A_585 : memref<1x!tpu.dma_semaphore, #tpu.memory_space<semaphore_mem>> -> memref<!tpu.dma_semaphore, #tpu.memory_space<semaphore_mem>>
      tpu.wait_indirect_dma semaphore(%dma_wait3A_586 : memref<!tpu.dma_semaphore, #tpu.memory_space<semaphore_mem>>) src(%dma_wait3A_584 : memref<4000000x32xf32, #tpu.memory_space<hbm>>) dst(%dma_wait3A_578 : memref<50x32xf32, #tpu.memory_space<vmem>>)
      %add3A_587 = arith.addi %mul3A_2, %add3A_565 : i32
      %dma_start3A_588 = arith.constant 7 : i32
      %dma_start3A_589 = arith.constant 7 : i32
      %dma_start3A_590 = arith.constant 0 : i32
      %dma_start3A_591 = arith.constant 0 : i32
      %dma_start3A_592 = tpu.memref_slice %arg6[%dma_start3A_588, %dma_start3A_590, %dma_start3A_591] : memref<8x50x32xf32, #tpu.memory_space<vmem>> -> memref<1x50x32xf32, #tpu.memory_space<vmem>>
      %dma_start3A_593 = tpu.memref_squeeze %dma_start3A_592 : memref<1x50x32xf32, #tpu.memory_space<vmem>> -> memref<50x32xf32, #tpu.memory_space<vmem>>
      %dma_start3A_594 = arith.constant 0 : i32
      %dma_start3A_595 = arith.constant 0 : i32
      %dma_start3A_596 = tpu.memref_slice %arg4[%add3A_587, %dma_start3A_594, %dma_start3A_595] : memref<16384x50x32xf32, #tpu.memory_space<hbm>> -> memref<1x50x32xf32, #tpu.memory_space<hbm>>
      %dma_start3A_597 = tpu.memref_squeeze %dma_start3A_596 : memref<1x50x32xf32, #tpu.memory_space<hbm>> -> memref<50x32xf32, #tpu.memory_space<hbm>>
      %dma_start3A_598 = tpu.memref_slice %arg8[%dma_start3A_589] : memref<8x!tpu.dma_semaphore, #tpu.memory_space<semaphore_mem>> -> memref<1x!tpu.dma_semaphore, #tpu.memory_space<semaphore_mem>>
      %dma_start3A_599 = tpu.memref_squeeze %dma_start3A_598 : memref<1x!tpu.dma_semaphore, #tpu.memory_space<semaphore_mem>> -> memref<!tpu.dma_semaphore, #tpu.memory_space<semaphore_mem>>
      %dma_start3A_600 = arith.constant 0 : i32
      %dma_start3A_601 = arith.constant 0 : i32
      %dma_start3A_602 = tpu.memref_slice %arg4[%add3A_587, %dma_start3A_600, %dma_start3A_601] : memref<16384x50x32xf32, #tpu.memory_space<hbm>> -> memref<1x50x32xf32, #tpu.memory_space<hbm>>
      %dma_start3A_603 = tpu.memref_squeeze %dma_start3A_602 : memref<1x50x32xf32, #tpu.memory_space<hbm>> -> memref<50x32xf32, #tpu.memory_space<hbm>>
      %dma_start3A_604 = arith.constant 0 : i32
      %dma_start3A_605 = arith.constant 0 : i32
      %dma_start3A_606 = tpu.memref_slice %arg6[%dma_start3A_588, %dma_start3A_604, %dma_start3A_605] : memref<8x50x32xf32, #tpu.memory_space<vmem>> -> memref<1x50x32xf32, #tpu.memory_space<vmem>>
      %dma_start3A_607 = tpu.memref_squeeze %dma_start3A_606 : memref<1x50x32xf32, #tpu.memory_space<vmem>> -> memref<50x32xf32, #tpu.memory_space<vmem>>
      tpu.enqueue_dma source(%dma_start3A_607 : memref<50x32xf32, #tpu.memory_space<vmem>>) target(%dma_start3A_603 : memref<50x32xf32, #tpu.memory_space<hbm>>) target_semaphore(%dma_start3A_599 : memref<!tpu.dma_semaphore, #tpu.memory_space<semaphore_mem>>)
    }
    %scan3A_96 = arith.constant 64 : i32
    %dma_wait3A = arith.constant 0 : i32
    %dma_wait3A_97 = arith.constant 0 : i32
    %dma_wait3A_98 = arith.constant 0 : i32
    %dma_wait3A_99 = arith.constant 0 : i32
    %dma_wait3A_100 = tpu.memref_slice %arg6[%dma_wait3A, %dma_wait3A_98, %dma_wait3A_99] : memref<8x50x32xf32, #tpu.memory_space<vmem>> -> memref<1x50x32xf32, #tpu.memory_space<vmem>>
    %dma_wait3A_101 = tpu.memref_squeeze %dma_wait3A_100 : memref<1x50x32xf32, #tpu.memory_space<vmem>> -> memref<50x32xf32, #tpu.memory_space<vmem>>
    %dma_wait3A_102 = arith.constant 0 : i32
    %dma_wait3A_103 = arith.constant 0 : i32
    %dma_wait3A_104 = tpu.memref_slice %arg4[%mul3A_2, %dma_wait3A_102, %dma_wait3A_103] : memref<16384x50x32xf32, #tpu.memory_space<hbm>> -> memref<1x50x32xf32, #tpu.memory_space<hbm>>
    %dma_wait3A_105 = tpu.memref_squeeze %dma_wait3A_104 : memref<1x50x32xf32, #tpu.memory_space<hbm>> -> memref<50x32xf32, #tpu.memory_space<hbm>>
    %dma_wait3A_106 = tpu.memref_slice %arg8[%dma_wait3A_97] : memref<8x!tpu.dma_semaphore, #tpu.memory_space<semaphore_mem>> -> memref<1x!tpu.dma_semaphore, #tpu.memory_space<semaphore_mem>>
    %dma_wait3A_107 = tpu.memref_squeeze %dma_wait3A_106 : memref<1x!tpu.dma_semaphore, #tpu.memory_space<semaphore_mem>> -> memref<!tpu.dma_semaphore, #tpu.memory_space<semaphore_mem>>
    %dma_wait3A_108 = arith.constant 0 : i32
    %dma_wait3A_109 = arith.constant 0 : i32
    %dma_wait3A_110 = tpu.memref_slice %arg4[%mul3A_2, %dma_wait3A_108, %dma_wait3A_109] : memref<16384x50x32xf32, #tpu.memory_space<hbm>> -> memref<1x50x32xf32, #tpu.memory_space<hbm>>
    %dma_wait3A_111 = tpu.memref_squeeze %dma_wait3A_110 : memref<1x50x32xf32, #tpu.memory_space<hbm>> -> memref<50x32xf32, #tpu.memory_space<hbm>>
    %dma_wait3A_112 = arith.constant 0 : i32
    %dma_wait3A_113 = arith.constant 0 : i32
    %dma_wait3A_114 = tpu.memref_slice %arg6[%dma_wait3A, %dma_wait3A_112, %dma_wait3A_113] : memref<8x50x32xf32, #tpu.memory_space<vmem>> -> memref<1x50x32xf32, #tpu.memory_space<vmem>>
    %dma_wait3A_115 = tpu.memref_squeeze %dma_wait3A_114 : memref<1x50x32xf32, #tpu.memory_space<vmem>> -> memref<50x32xf32, #tpu.memory_space<vmem>>
    tpu.wait_dma2 semaphore(%dma_wait3A_107 : memref<!tpu.dma_semaphore, #tpu.memory_space<semaphore_mem>>) src(%dma_wait3A_115 : memref<50x32xf32, #tpu.memory_space<vmem>>) dst(%dma_wait3A_111 : memref<50x32xf32, #tpu.memory_space<hbm>>)
    %dma_wait3A_116 = arith.constant 1 : i32
    %dma_wait3A_117 = arith.constant 1 : i32
    %dma_wait3A_118 = arith.constant 0 : i32
    %dma_wait3A_119 = arith.constant 0 : i32
    %dma_wait3A_120 = tpu.memref_slice %arg6[%dma_wait3A_116, %dma_wait3A_118, %dma_wait3A_119] : memref<8x50x32xf32, #tpu.memory_space<vmem>> -> memref<1x50x32xf32, #tpu.memory_space<vmem>>
    %dma_wait3A_121 = tpu.memref_squeeze %dma_wait3A_120 : memref<1x50x32xf32, #tpu.memory_space<vmem>> -> memref<50x32xf32, #tpu.memory_space<vmem>>
    %dma_wait3A_122 = arith.constant 0 : i32
    %dma_wait3A_123 = arith.constant 0 : i32
    %dma_wait3A_124 = tpu.memref_slice %arg4[%mul3A_2, %dma_wait3A_122, %dma_wait3A_123] : memref<16384x50x32xf32, #tpu.memory_space<hbm>> -> memref<1x50x32xf32, #tpu.memory_space<hbm>>
    %dma_wait3A_125 = tpu.memref_squeeze %dma_wait3A_124 : memref<1x50x32xf32, #tpu.memory_space<hbm>> -> memref<50x32xf32, #tpu.memory_space<hbm>>
    %dma_wait3A_126 = tpu.memref_slice %arg8[%dma_wait3A_117] : memref<8x!tpu.dma_semaphore, #tpu.memory_space<semaphore_mem>> -> memref<1x!tpu.dma_semaphore, #tpu.memory_space<semaphore_mem>>
    %dma_wait3A_127 = tpu.memref_squeeze %dma_wait3A_126 : memref<1x!tpu.dma_semaphore, #tpu.memory_space<semaphore_mem>> -> memref<!tpu.dma_semaphore, #tpu.memory_space<semaphore_mem>>
    %dma_wait3A_128 = arith.constant 0 : i32
    %dma_wait3A_129 = arith.constant 0 : i32
    %dma_wait3A_130 = tpu.memref_slice %arg4[%mul3A_2, %dma_wait3A_128, %dma_wait3A_129] : memref<16384x50x32xf32, #tpu.memory_space<hbm>> -> memref<1x50x32xf32, #tpu.memory_space<hbm>>
    %dma_wait3A_131 = tpu.memref_squeeze %dma_wait3A_130 : memref<1x50x32xf32, #tpu.memory_space<hbm>> -> memref<50x32xf32, #tpu.memory_space<hbm>>
    %dma_wait3A_132 = arith.constant 0 : i32
    %dma_wait3A_133 = arith.constant 0 : i32
    %dma_wait3A_134 = tpu.memref_slice %arg6[%dma_wait3A_116, %dma_wait3A_132, %dma_wait3A_133] : memref<8x50x32xf32, #tpu.memory_space<vmem>> -> memref<1x50x32xf32, #tpu.memory_space<vmem>>
    %dma_wait3A_135 = tpu.memref_squeeze %dma_wait3A_134 : memref<1x50x32xf32, #tpu.memory_space<vmem>> -> memref<50x32xf32, #tpu.memory_space<vmem>>
    tpu.wait_dma2 semaphore(%dma_wait3A_127 : memref<!tpu.dma_semaphore, #tpu.memory_space<semaphore_mem>>) src(%dma_wait3A_135 : memref<50x32xf32, #tpu.memory_space<vmem>>) dst(%dma_wait3A_131 : memref<50x32xf32, #tpu.memory_space<hbm>>)
    %dma_wait3A_136 = arith.constant 2 : i32
    %dma_wait3A_137 = arith.constant 2 : i32
    %dma_wait3A_138 = arith.constant 0 : i32
    %dma_wait3A_139 = arith.constant 0 : i32
    %dma_wait3A_140 = tpu.memref_slice %arg6[%dma_wait3A_136, %dma_wait3A_138, %dma_wait3A_139] : memref<8x50x32xf32, #tpu.memory_space<vmem>> -> memref<1x50x32xf32, #tpu.memory_space<vmem>>
    %dma_wait3A_141 = tpu.memref_squeeze %dma_wait3A_140 : memref<1x50x32xf32, #tpu.memory_space<vmem>> -> memref<50x32xf32, #tpu.memory_space<vmem>>
    %dma_wait3A_142 = arith.constant 0 : i32
    %dma_wait3A_143 = arith.constant 0 : i32
    %dma_wait3A_144 = tpu.memref_slice %arg4[%mul3A_2, %dma_wait3A_142, %dma_wait3A_143] : memref<16384x50x32xf32, #tpu.memory_space<hbm>> -> memref<1x50x32xf32, #tpu.memory_space<hbm>>
    %dma_wait3A_145 = tpu.memref_squeeze %dma_wait3A_144 : memref<1x50x32xf32, #tpu.memory_space<hbm>> -> memref<50x32xf32, #tpu.memory_space<hbm>>
    %dma_wait3A_146 = tpu.memref_slice %arg8[%dma_wait3A_137] : memref<8x!tpu.dma_semaphore, #tpu.memory_space<semaphore_mem>> -> memref<1x!tpu.dma_semaphore, #tpu.memory_space<semaphore_mem>>
    %dma_wait3A_147 = tpu.memref_squeeze %dma_wait3A_146 : memref<1x!tpu.dma_semaphore, #tpu.memory_space<semaphore_mem>> -> memref<!tpu.dma_semaphore, #tpu.memory_space<semaphore_mem>>
    %dma_wait3A_148 = arith.constant 0 : i32
    %dma_wait3A_149 = arith.constant 0 : i32
    %dma_wait3A_150 = tpu.memref_slice %arg4[%mul3A_2, %dma_wait3A_148, %dma_wait3A_149] : memref<16384x50x32xf32, #tpu.memory_space<hbm>> -> memref<1x50x32xf32, #tpu.memory_space<hbm>>
    %dma_wait3A_151 = tpu.memref_squeeze %dma_wait3A_150 : memref<1x50x32xf32, #tpu.memory_space<hbm>> -> memref<50x32xf32, #tpu.memory_space<hbm>>
    %dma_wait3A_152 = arith.constant 0 : i32
    %dma_wait3A_153 = arith.constant 0 : i32
    %dma_wait3A_154 = tpu.memref_slice %arg6[%dma_wait3A_136, %dma_wait3A_152, %dma_wait3A_153] : memref<8x50x32xf32, #tpu.memory_space<vmem>> -> memref<1x50x32xf32, #tpu.memory_space<vmem>>
    %dma_wait3A_155 = tpu.memref_squeeze %dma_wait3A_154 : memref<1x50x32xf32, #tpu.memory_space<vmem>> -> memref<50x32xf32, #tpu.memory_space<vmem>>
    tpu.wait_dma2 semaphore(%dma_wait3A_147 : memref<!tpu.dma_semaphore, #tpu.memory_space<semaphore_mem>>) src(%dma_wait3A_155 : memref<50x32xf32, #tpu.memory_space<vmem>>) dst(%dma_wait3A_151 : memref<50x32xf32, #tpu.memory_space<hbm>>)
    %dma_wait3A_156 = arith.constant 3 : i32
    %dma_wait3A_157 = arith.constant 3 : i32
    %dma_wait3A_158 = arith.constant 0 : i32
    %dma_wait3A_159 = arith.constant 0 : i32
    %dma_wait3A_160 = tpu.memref_slice %arg6[%dma_wait3A_156, %dma_wait3A_158, %dma_wait3A_159] : memref<8x50x32xf32, #tpu.memory_space<vmem>> -> memref<1x50x32xf32, #tpu.memory_space<vmem>>
    %dma_wait3A_161 = tpu.memref_squeeze %dma_wait3A_160 : memref<1x50x32xf32, #tpu.memory_space<vmem>> -> memref<50x32xf32, #tpu.memory_space<vmem>>
    %dma_wait3A_162 = arith.constant 0 : i32
    %dma_wait3A_163 = arith.constant 0 : i32
    %dma_wait3A_164 = tpu.memref_slice %arg4[%mul3A_2, %dma_wait3A_162, %dma_wait3A_163] : memref<16384x50x32xf32, #tpu.memory_space<hbm>> -> memref<1x50x32xf32, #tpu.memory_space<hbm>>
    %dma_wait3A_165 = tpu.memref_squeeze %dma_wait3A_164 : memref<1x50x32xf32, #tpu.memory_space<hbm>> -> memref<50x32xf32, #tpu.memory_space<hbm>>
    %dma_wait3A_166 = tpu.memref_slice %arg8[%dma_wait3A_157] : memref<8x!tpu.dma_semaphore, #tpu.memory_space<semaphore_mem>> -> memref<1x!tpu.dma_semaphore, #tpu.memory_space<semaphore_mem>>
    %dma_wait3A_167 = tpu.memref_squeeze %dma_wait3A_166 : memref<1x!tpu.dma_semaphore, #tpu.memory_space<semaphore_mem>> -> memref<!tpu.dma_semaphore, #tpu.memory_space<semaphore_mem>>
    %dma_wait3A_168 = arith.constant 0 : i32
    %dma_wait3A_169 = arith.constant 0 : i32
    %dma_wait3A_170 = tpu.memref_slice %arg4[%mul3A_2, %dma_wait3A_168, %dma_wait3A_169] : memref<16384x50x32xf32, #tpu.memory_space<hbm>> -> memref<1x50x32xf32, #tpu.memory_space<hbm>>
    %dma_wait3A_171 = tpu.memref_squeeze %dma_wait3A_170 : memref<1x50x32xf32, #tpu.memory_space<hbm>> -> memref<50x32xf32, #tpu.memory_space<hbm>>
    %dma_wait3A_172 = arith.constant 0 : i32
    %dma_wait3A_173 = arith.constant 0 : i32
    %dma_wait3A_174 = tpu.memref_slice %arg6[%dma_wait3A_156, %dma_wait3A_172, %dma_wait3A_173] : memref<8x50x32xf32, #tpu.memory_space<vmem>> -> memref<1x50x32xf32, #tpu.memory_space<vmem>>
    %dma_wait3A_175 = tpu.memref_squeeze %dma_wait3A_174 : memref<1x50x32xf32, #tpu.memory_space<vmem>> -> memref<50x32xf32, #tpu.memory_space<vmem>>
    tpu.wait_dma2 semaphore(%dma_wait3A_167 : memref<!tpu.dma_semaphore, #tpu.memory_space<semaphore_mem>>) src(%dma_wait3A_175 : memref<50x32xf32, #tpu.memory_space<vmem>>) dst(%dma_wait3A_171 : memref<50x32xf32, #tpu.memory_space<hbm>>)
    %dma_wait3A_176 = arith.constant 4 : i32
    %dma_wait3A_177 = arith.constant 4 : i32
    %dma_wait3A_178 = arith.constant 0 : i32
    %dma_wait3A_179 = arith.constant 0 : i32
    %dma_wait3A_180 = tpu.memref_slice %arg6[%dma_wait3A_176, %dma_wait3A_178, %dma_wait3A_179] : memref<8x50x32xf32, #tpu.memory_space<vmem>> -> memref<1x50x32xf32, #tpu.memory_space<vmem>>
    %dma_wait3A_181 = tpu.memref_squeeze %dma_wait3A_180 : memref<1x50x32xf32, #tpu.memory_space<vmem>> -> memref<50x32xf32, #tpu.memory_space<vmem>>
    %dma_wait3A_182 = arith.constant 0 : i32
    %dma_wait3A_183 = arith.constant 0 : i32
    %dma_wait3A_184 = tpu.memref_slice %arg4[%mul3A_2, %dma_wait3A_182, %dma_wait3A_183] : memref<16384x50x32xf32, #tpu.memory_space<hbm>> -> memref<1x50x32xf32, #tpu.memory_space<hbm>>
    %dma_wait3A_185 = tpu.memref_squeeze %dma_wait3A_184 : memref<1x50x32xf32, #tpu.memory_space<hbm>> -> memref<50x32xf32, #tpu.memory_space<hbm>>
    %dma_wait3A_186 = tpu.memref_slice %arg8[%dma_wait3A_177] : memref<8x!tpu.dma_semaphore, #tpu.memory_space<semaphore_mem>> -> memref<1x!tpu.dma_semaphore, #tpu.memory_space<semaphore_mem>>
    %dma_wait3A_187 = tpu.memref_squeeze %dma_wait3A_186 : memref<1x!tpu.dma_semaphore, #tpu.memory_space<semaphore_mem>> -> memref<!tpu.dma_semaphore, #tpu.memory_space<semaphore_mem>>
    %dma_wait3A_188 = arith.constant 0 : i32
    %dma_wait3A_189 = arith.constant 0 : i32
    %dma_wait3A_190 = tpu.memref_slice %arg4[%mul3A_2, %dma_wait3A_188, %dma_wait3A_189] : memref<16384x50x32xf32, #tpu.memory_space<hbm>> -> memref<1x50x32xf32, #tpu.memory_space<hbm>>
    %dma_wait3A_191 = tpu.memref_squeeze %dma_wait3A_190 : memref<1x50x32xf32, #tpu.memory_space<hbm>> -> memref<50x32xf32, #tpu.memory_space<hbm>>
    %dma_wait3A_192 = arith.constant 0 : i32
    %dma_wait3A_193 = arith.constant 0 : i32
    %dma_wait3A_194 = tpu.memref_slice %arg6[%dma_wait3A_176, %dma_wait3A_192, %dma_wait3A_193] : memref<8x50x32xf32, #tpu.memory_space<vmem>> -> memref<1x50x32xf32, #tpu.memory_space<vmem>>
    %dma_wait3A_195 = tpu.memref_squeeze %dma_wait3A_194 : memref<1x50x32xf32, #tpu.memory_space<vmem>> -> memref<50x32xf32, #tpu.memory_space<vmem>>
    tpu.wait_dma2 semaphore(%dma_wait3A_187 : memref<!tpu.dma_semaphore, #tpu.memory_space<semaphore_mem>>) src(%dma_wait3A_195 : memref<50x32xf32, #tpu.memory_space<vmem>>) dst(%dma_wait3A_191 : memref<50x32xf32, #tpu.memory_space<hbm>>)
    %dma_wait3A_196 = arith.constant 5 : i32
    %dma_wait3A_197 = arith.constant 5 : i32
    %dma_wait3A_198 = arith.constant 0 : i32
    %dma_wait3A_199 = arith.constant 0 : i32
    %dma_wait3A_200 = tpu.memref_slice %arg6[%dma_wait3A_196, %dma_wait3A_198, %dma_wait3A_199] : memref<8x50x32xf32, #tpu.memory_space<vmem>> -> memref<1x50x32xf32, #tpu.memory_space<vmem>>
    %dma_wait3A_201 = tpu.memref_squeeze %dma_wait3A_200 : memref<1x50x32xf32, #tpu.memory_space<vmem>> -> memref<50x32xf32, #tpu.memory_space<vmem>>
    %dma_wait3A_202 = arith.constant 0 : i32
    %dma_wait3A_203 = arith.constant 0 : i32
    %dma_wait3A_204 = tpu.memref_slice %arg4[%mul3A_2, %dma_wait3A_202, %dma_wait3A_203] : memref<16384x50x32xf32, #tpu.memory_space<hbm>> -> memref<1x50x32xf32, #tpu.memory_space<hbm>>
    %dma_wait3A_205 = tpu.memref_squeeze %dma_wait3A_204 : memref<1x50x32xf32, #tpu.memory_space<hbm>> -> memref<50x32xf32, #tpu.memory_space<hbm>>
    %dma_wait3A_206 = tpu.memref_slice %arg8[%dma_wait3A_197] : memref<8x!tpu.dma_semaphore, #tpu.memory_space<semaphore_mem>> -> memref<1x!tpu.dma_semaphore, #tpu.memory_space<semaphore_mem>>
    %dma_wait3A_207 = tpu.memref_squeeze %dma_wait3A_206 : memref<1x!tpu.dma_semaphore, #tpu.memory_space<semaphore_mem>> -> memref<!tpu.dma_semaphore, #tpu.memory_space<semaphore_mem>>
    %dma_wait3A_208 = arith.constant 0 : i32
    %dma_wait3A_209 = arith.constant 0 : i32
    %dma_wait3A_210 = tpu.memref_slice %arg4[%mul3A_2, %dma_wait3A_208, %dma_wait3A_209] : memref<16384x50x32xf32, #tpu.memory_space<hbm>> -> memref<1x50x32xf32, #tpu.memory_space<hbm>>
    %dma_wait3A_211 = tpu.memref_squeeze %dma_wait3A_210 : memref<1x50x32xf32, #tpu.memory_space<hbm>> -> memref<50x32xf32, #tpu.memory_space<hbm>>
    %dma_wait3A_212 = arith.constant 0 : i32
    %dma_wait3A_213 = arith.constant 0 : i32
    %dma_wait3A_214 = tpu.memref_slice %arg6[%dma_wait3A_196, %dma_wait3A_212, %dma_wait3A_213] : memref<8x50x32xf32, #tpu.memory_space<vmem>> -> memref<1x50x32xf32, #tpu.memory_space<vmem>>
    %dma_wait3A_215 = tpu.memref_squeeze %dma_wait3A_214 : memref<1x50x32xf32, #tpu.memory_space<vmem>> -> memref<50x32xf32, #tpu.memory_space<vmem>>
    tpu.wait_dma2 semaphore(%dma_wait3A_207 : memref<!tpu.dma_semaphore, #tpu.memory_space<semaphore_mem>>) src(%dma_wait3A_215 : memref<50x32xf32, #tpu.memory_space<vmem>>) dst(%dma_wait3A_211 : memref<50x32xf32, #tpu.memory_space<hbm>>)
    %dma_wait3A_216 = arith.constant 6 : i32
    %dma_wait3A_217 = arith.constant 6 : i32
    %dma_wait3A_218 = arith.constant 0 : i32
    %dma_wait3A_219 = arith.constant 0 : i32
    %dma_wait3A_220 = tpu.memref_slice %arg6[%dma_wait3A_216, %dma_wait3A_218, %dma_wait3A_219] : memref<8x50x32xf32, #tpu.memory_space<vmem>> -> memref<1x50x32xf32, #tpu.memory_space<vmem>>
    %dma_wait3A_221 = tpu.memref_squeeze %dma_wait3A_220 : memref<1x50x32xf32, #tpu.memory_space<vmem>> -> memref<50x32xf32, #tpu.memory_space<vmem>>
    %dma_wait3A_222 = arith.constant 0 : i32
    %dma_wait3A_223 = arith.constant 0 : i32
    %dma_wait3A_224 = tpu.memref_slice %arg4[%mul3A_2, %dma_wait3A_222, %dma_wait3A_223] : memref<16384x50x32xf32, #tpu.memory_space<hbm>> -> memref<1x50x32xf32, #tpu.memory_space<hbm>>
    %dma_wait3A_225 = tpu.memref_squeeze %dma_wait3A_224 : memref<1x50x32xf32, #tpu.memory_space<hbm>> -> memref<50x32xf32, #tpu.memory_space<hbm>>
    %dma_wait3A_226 = tpu.memref_slice %arg8[%dma_wait3A_217] : memref<8x!tpu.dma_semaphore, #tpu.memory_space<semaphore_mem>> -> memref<1x!tpu.dma_semaphore, #tpu.memory_space<semaphore_mem>>
    %dma_wait3A_227 = tpu.memref_squeeze %dma_wait3A_226 : memref<1x!tpu.dma_semaphore, #tpu.memory_space<semaphore_mem>> -> memref<!tpu.dma_semaphore, #tpu.memory_space<semaphore_mem>>
    %dma_wait3A_228 = arith.constant 0 : i32
    %dma_wait3A_229 = arith.constant 0 : i32
    %dma_wait3A_230 = tpu.memref_slice %arg4[%mul3A_2, %dma_wait3A_228, %dma_wait3A_229] : memref<16384x50x32xf32, #tpu.memory_space<hbm>> -> memref<1x50x32xf32, #tpu.memory_space<hbm>>
    %dma_wait3A_231 = tpu.memref_squeeze %dma_wait3A_230 : memref<1x50x32xf32, #tpu.memory_space<hbm>> -> memref<50x32xf32, #tpu.memory_space<hbm>>
    %dma_wait3A_232 = arith.constant 0 : i32
    %dma_wait3A_233 = arith.constant 0 : i32
    %dma_wait3A_234 = tpu.memref_slice %arg6[%dma_wait3A_216, %dma_wait3A_232, %dma_wait3A_233] : memref<8x50x32xf32, #tpu.memory_space<vmem>> -> memref<1x50x32xf32, #tpu.memory_space<vmem>>
    %dma_wait3A_235 = tpu.memref_squeeze %dma_wait3A_234 : memref<1x50x32xf32, #tpu.memory_space<vmem>> -> memref<50x32xf32, #tpu.memory_space<vmem>>
    tpu.wait_dma2 semaphore(%dma_wait3A_227 : memref<!tpu.dma_semaphore, #tpu.memory_space<semaphore_mem>>) src(%dma_wait3A_235 : memref<50x32xf32, #tpu.memory_space<vmem>>) dst(%dma_wait3A_231 : memref<50x32xf32, #tpu.memory_space<hbm>>)
    %dma_wait3A_236 = arith.constant 7 : i32
    %dma_wait3A_237 = arith.constant 7 : i32
    %dma_wait3A_238 = arith.constant 0 : i32
    %dma_wait3A_239 = arith.constant 0 : i32
    %dma_wait3A_240 = tpu.memref_slice %arg6[%dma_wait3A_236, %dma_wait3A_238, %dma_wait3A_239] : memref<8x50x32xf32, #tpu.memory_space<vmem>> -> memref<1x50x32xf32, #tpu.memory_space<vmem>>
    %dma_wait3A_241 = tpu.memref_squeeze %dma_wait3A_240 : memref<1x50x32xf32, #tpu.memory_space<vmem>> -> memref<50x32xf32, #tpu.memory_space<vmem>>
    %dma_wait3A_242 = arith.constant 0 : i32
    %dma_wait3A_243 = arith.constant 0 : i32
    %dma_wait3A_244 = tpu.memref_slice %arg4[%mul3A_2, %dma_wait3A_242, %dma_wait3A_243] : memref<16384x50x32xf32, #tpu.memory_space<hbm>> -> memref<1x50x32xf32, #tpu.memory_space<hbm>>
    %dma_wait3A_245 = tpu.memref_squeeze %dma_wait3A_244 : memref<1x50x32xf32, #tpu.memory_space<hbm>> -> memref<50x32xf32, #tpu.memory_space<hbm>>
    %dma_wait3A_246 = tpu.memref_slice %arg8[%dma_wait3A_237] : memref<8x!tpu.dma_semaphore, #tpu.memory_space<semaphore_mem>> -> memref<1x!tpu.dma_semaphore, #tpu.memory_space<semaphore_mem>>
    %dma_wait3A_247 = tpu.memref_squeeze %dma_wait3A_246 : memref<1x!tpu.dma_semaphore, #tpu.memory_space<semaphore_mem>> -> memref<!tpu.dma_semaphore, #tpu.memory_space<semaphore_mem>>
    %dma_wait3A_248 = arith.constant 0 : i32
    %dma_wait3A_249 = arith.constant 0 : i32
    %dma_wait3A_250 = tpu.memref_slice %arg4[%mul3A_2, %dma_wait3A_248, %dma_wait3A_249] : memref<16384x50x32xf32, #tpu.memory_space<hbm>> -> memref<1x50x32xf32, #tpu.memory_space<hbm>>
    %dma_wait3A_251 = tpu.memref_squeeze %dma_wait3A_250 : memref<1x50x32xf32, #tpu.memory_space<hbm>> -> memref<50x32xf32, #tpu.memory_space<hbm>>
    %dma_wait3A_252 = arith.constant 0 : i32
    %dma_wait3A_253 = arith.constant 0 : i32
    %dma_wait3A_254 = tpu.memref_slice %arg6[%dma_wait3A_236, %dma_wait3A_252, %dma_wait3A_253] : memref<8x50x32xf32, #tpu.memory_space<vmem>> -> memref<1x50x32xf32, #tpu.memory_space<vmem>>
    %dma_wait3A_255 = tpu.memref_squeeze %dma_wait3A_254 : memref<1x50x32xf32, #tpu.memory_space<vmem>> -> memref<50x32xf32, #tpu.memory_space<vmem>>
    tpu.wait_dma2 semaphore(%dma_wait3A_247 : memref<!tpu.dma_semaphore, #tpu.memory_space<semaphore_mem>>) src(%dma_wait3A_255 : memref<50x32xf32, #tpu.memory_space<vmem>>) dst(%dma_wait3A_251 : memref<50x32xf32, #tpu.memory_space<hbm>>)
    return
  }
}

</mosaic_0001>

<sc_bundles>
// kernel: kernel.3.cloned.1.call-start
scs
__scs_entry_jumppad:
0x0: {  	(pc) =	sbr.rel $0x88, $3  }
0x1: {  	(tag) =	ssettag $0x0;
	lr =	simm.s32 $0x1  }
0x2: {  	[smem:$0x3F9F] =	sst lr;
	_ =	strace $0xD0000000  }
0x3: {  	_ = 	snop  }
0x4: {  	_ = 	snop  }
0x5: {  	_ = 	snop  }
0x6: {  	_ = 	snop  }
0x7: {  	_ = 	snop  }
__scs_overlays_trampoline_lowered:
0x8: {  	[smem:$0x3FAE] =	sst s0  }
0x9: {  	[smem:$0x3FAF] =	sst s1  }
0xa: {  	[smem:$0x3FB0] =	sst s2  }
0xb: {  	[smem:$0x3FB1] =	sst s3  }
0xc: {  	[smem:$0x3FB2] =	sst s4  }
0xd: {  	[smem:$0x3FB3] =	sst s5  }
0xe: {  	[smem:$0x3FB4] =	sst s6  }
0xf: {  	[smem:$0x3FB5] =	sst s7  }
0x10: {  	[smem:$0x3FB6] =	sst s8  }
0x11: {  	[smem:$0x3FB7] =	sst s9;
	s0 =	simm.s32 @!p0 $0x0  }
0x12: {  	s1 =	sld [smem:$0x3F9D];
	s0 =	simm.s32 @p0 $0x1  }
0x13: {  	[smem:$0x3FB8] =	sst s0;
	s0 =	simm.s32 @!p1 $0x0  }
0x14: {  	s2 =	sld [smem:$0x3F9C];
	s0 =	simm.s32 @p1 $0x1  }
0x15: {  	[smem:$0x3FB9] =	sst s0;
	s0 =	simm.s32 @!p2 $0x0  }
0x16: {  	s3 =	sld [smem:$0x3FDB];
	s0 =	simm.s32 @p2 $0x1  }
0x17: {  	s4 =	simm.s32 $0x1BF5;
	[smem:$0x3FBB] =	sst s0  }
0x18: {  	s0 =	sld [smem:$0x3F9E];
	_ =	swait.ge [sflag:s4], $0x0  }
0x19: {  	s7 =	sld [smem:$0x3F9F]  }
0x1a: {  	s8 =	sadd.s32 $0xFFFFE003, lr  }
0x1b: {  	s9 =	sadd.s32 $0xFFFFFEF7, lr;
	s5 =	simm.s32 $0xFFFFFFFF;
	p2 =	slt.u32 s8, $0xFFFFF086  }
0x1c: {  	p1 =	slt.u32 s9, $0xF7A;
	s5 =	simm.s32 @!p2 $0x0  }
0x1d: {  	s5 =	simm.s32 @p1 $0x1;
	p0 =	seq.s32 s7, s2  }
0x1e: {  	s7 =	smul.u32 @!p0 $0xF7A, s2;
	p2 =	seq.s32 @!p0 s5, $0x0  }
0x1f: {  	s9 =	smul.u32 $0xF7A, s1;
	s8 =	simm.s32 @!p0 $0x1BF5;
	p2 =	por !p2, p0  }
0x20: {  	[sflag:s8] =	ssyncset.s32 @!p0 $0xFFFFF086;
	s6 =	sadd.s32 @!p0 s3, s7;
	s7 =	simm.s32 @!p0 $0x108  }
0x21: {  	s3 =	sadd.s32 s3, s9;
	s6 =	sadd.s32 @!p0 $0x88, s6;
	s7 =	simm.s32 @p2 $0x1082  }
0x22: {  	[simem:s7], [sflag:s8] =	dma.local @!p0 [hbm:s6], $0xF7A  }
0x23: {  	s9 =	sor.u32 $0xD0000000, s2;
	s6 =	simm.s32 $0x108;
	_ =	swait.ge @!p0 [sflag:s8], $0x0  }
0x24: {  	s3 =	sadd.s32 $0x88, s3;
	s6 =	simm.s32 @!p1 $0x1082;
	[sflag:s4] =	ssyncset.s32 $0xFFFFF086  }
0x25: {  	[simem:s6], [sflag:s4] =	dma.local [hbm:s3], $0xF7A  }
0x26: {  	[smem:$0x3F9F] =	sst s1;
	(tag) =	ssettag s2;
	_ =	strace s9  }
0x27: {  	s1 =	sld [smem:$0x3FAF]  }
0x28: {  	s2 =	sld [smem:$0x3FB0]  }
0x29: {  	s4 =	sld [smem:$0x3FB2]  }
0x2a: {  	p0 =	seq.s32 s5, $0x0;
	s5 =	sld [smem:$0x3FB3]  }
0x2b: {  	s6 =	sld [smem:$0x3FB4]  }
0x2c: {  	s7 =	sld [smem:$0x3FB5]  }
0x2d: {  	s3 =	simm.s32 $0x108;
	s8 =	sld [smem:$0x3FB6]  }
0x2e: {  	s3 =	simm.s32 @!p0 $0x1082;
	s9 =	sld [smem:$0x3FB7]  }
0x2f: {  	lr =	sadd.s32 s0, s3;
	s0 =	sld [smem:$0x3FAE]  }
0x30: {  	s3 =	sld [smem:$0x3FB1]  }
0x31: {  	[smem:$0x3FBA] =	sst s10  }
0x32: {  	s10 =	sld [smem:$0x3FB8];
	_ =	sdelay $0x3  }
0x33: {  	p0 =	seq.s32 s10, $0x1;
	s10 =	sld [smem:$0x3FBA];
	_ =	sdelay $0x3  }
0x34: {  	[smem:$0x3FBA] =	sst s10  }
0x35: {  	s10 =	sld [smem:$0x3FB9];
	_ =	sdelay $0x3  }
0x36: {  	p1 =	seq.s32 s10, $0x1;
	s10 =	sld [smem:$0x3FBA];
	_ =	sdelay $0x3  }
0x37: {  	[smem:$0x3FBA] =	sst s10  }
0x38: {  	s10 =	sld [smem:$0x3FBB]  }
0x39: {  	_ = 	snop;
	(pc) =	sbr.ind lr, $3  }
0x3a: {  	_ = 	snop  }
0x3b: {  	_ = 	snop  }
0x3c: {  	p2 =	seq.s32 s10, $0x1;
	s10 =	sld [smem:$0x3FBA]  }
0x3d: {  	_ =	shalt  }
0x3e: {  	_ =	shalt  }
0x3f: {  	_ =	shalt  }
0x40: {  	_ =	shalt  }
0x41: {  	_ =	shalt  }
0x42: {  	_ =	shalt  }
0x43: {  	_ =	shalt  }
0x44: {  	_ =	shalt  }
0x45: {  	_ =	shalt  }
0x46: {  	_ =	shalt  }
0x47: {  	_ =	shalt  }
0x48: {  	_ =	shalt  }
0x49: {  	_ =	shalt  }
0x4a: {  	_ =	shalt  }
0x4b: {  	_ =	shalt  }
0x4c: {  	_ =	shalt  }
0x4d: {  	_ =	shalt  }
0x4e: {  	_ =	shalt  }
0x4f: {  	_ =	shalt  }
0x50: {  	_ =	shalt  }
0x51: {  	_ =	shalt  }
0x52: {  	_ =	shalt  }
0x53: {  	_ =	shalt  }
0x54: {  	_ =	shalt  }
0x55: {  	_ =	shalt  }
0x56: {  	_ =	shalt  }
0x57: {  	_ =	shalt  }
0x58: {  	_ =	shalt  }
0x59: {  	_ =	shalt  }
0x5a: {  	_ =	shalt  }
0x5b: {  	_ =	shalt  }
0x5c: {  	_ =	shalt  }
0x5d: {  	_ =	shalt  }
0x5e: {  	_ =	shalt  }
0x5f: {  	_ =	shalt  }
0x60: {  	_ =	shalt  }
0x61: {  	_ =	shalt  }
0x62: {  	_ =	shalt  }
0x63: {  	_ =	shalt  }
0x64: {  	_ =	shalt  }
0x65: {  	_ =	shalt  }
0x66: {  	_ =	shalt  }
0x67: {  	_ =	shalt  }
0x68: {  	_ =	shalt  }
0x69: {  	_ =	shalt  }
0x6a: {  	_ =	shalt  }
0x6b: {  	_ =	shalt  }
0x6c: {  	_ =	shalt  }
0x6d: {  	_ =	shalt  }
0x6e: {  	_ =	shalt  }
0x6f: {  	_ =	shalt  }
0x70: {  	_ =	shalt  }
0x71: {  	_ =	shalt  }
0x72: {  	_ =	shalt  }
0x73: {  	_ =	shalt  }
0x74: {  	_ =	shalt  }
0x75: {  	_ =	shalt  }
0x76: {  	_ =	shalt  }
0x77: {  	_ =	shalt  }
0x78: {  	_ =	shalt  }
0x79: {  	_ =	shalt  }
0x7a: {  	_ =	shalt  }
0x7b: {  	_ =	shalt  }
0x7c: {  	_ =	shalt  }
0x7d: {  	_ =	shalt  }
0x7e: {  	_ =	shalt  }
0x7f: {  	_ =	shalt  }
0x80: {  	_ =	shalt  }
0x81: {  	_ =	shalt  }
0x82: {  	_ =	shalt  }
0x83: {  	_ =	shalt  }
0x84: {  	_ =	shalt  }
0x85: {  	_ =	shalt  }
0x86: {  	_ =	shalt  }
0x87: {  	_ =	shalt  }
.Lfunc_end0:
.L_simem_size_0:
called_computation.2_lowered:
.L_overlay_start_0:
0x88: {  	s2 =	sld [smem:$0x3FD9]  }
0x89: {  	s3 =	sld [smem:$0x3FFE];
	_ =	sdelay $0x1  }
0x8a: {  	s1 =	srdreg.scid  }
0x8b: {  	s0 =	sand.u32 $0x1, s1  }
0x8c: {  	s17 =	sshll.u32 s0, $0xA;
	s2 =	sadd.s32 s3, s2  }
0x8d: {  	s2 =	sadd.s32 s2, s17  }
0x8e: {  	[smem:$0x3FC6] =	sst s2  }
0x8f: {  	_ = 	snop  }
0x90: {  	s2 =	sld [smem:$0x3FD0];
	(tm) =	ssettm $0x1  }
0x91: {  	s18 =	sld [smem:$0x3FFB];
	_ =	sdelay $0x3  }
0x92: {  	_ =	strace s18  }
0x93: {  	s3 =	sld [smem:$0x3FFC];
	_ =	sdelay $0x3  }
0x94: {  	_ =	strace s3  }
0x95: {  	s3 =	sld [smem:$0x3FFD];
	_ =	sdelay $0x3  }
0x96: {  	_ =	strace s3  }
0x97: {  	_ =	strace $0x8FFFFFFF  }
0x98: {  	s19 =	sld [smem:$0x3FDB];
	_ =	sdelay $0x1  }
0x99: {  	s4 =	simm.s32 $_scs_section_size  }
0x9a: {  	s5 =	simm.s32 $_size__tile_overlayer_lowered;
	s6 =	simm.s32 $_tile_overlayer_lowered  }
0x9b: {  	s22 =	simm.s32 $0x1BFF;
	s21 =	sshll.u32 s6, $0x1;
	s3 =	sadd.s32 s4, s19  }
0x9c: {  	s7 =	simm.s32 $0x0;
	s20 =	sshll.u32 s5, $0x1;
	s5 =	sadd.s32 s21, s3  }
0x9d: {  	[timem:s7], [sflag:s22] =	dma.local [hbm:s5], s20  }
0x9e: {  	_ =	swait.ge [sflag:s22], s20  }
0x9f: {  	s4 =	ssub.s32 $0x0, s20;
	[sflag:s22] =	ssyncset.done $0x0  }
0xa0: {  	[sflag:s22] =	ssyncadd.s32 s4;
	_ =	sdelay $0x1  }
0xa1: {  	s23 =	simm.s32 $0x1B8B  }
0xa2: {  	_ =	swait.ge [sflag:s23], $0x1  }
0xa3: {  	[sflag:s23] =	ssyncset.done $0x0  }
0xa4: {  	s25 =	simm.s32 $0x1B8E;
	s24 =	sld [smem:$0x3FFE];
	[sflag:s23] =	ssyncadd.s32 $0xFFFFFFFF  }
0xa5: {  	s26 =	simm.s32 $execute0_lowered;
	[smem:$0x3FD2] =	sst s25  }
0xa6: {  	s5 =	sshll.u32 s26, $0x1;
	_ =	strace $0x80000049;
	[dreg:$0x1] =	wrdreg $0xFFFFFFFF  }
0xa7: {  	s28 =	simm.s32 $_size_execute0_lowered;
	s3 =	sadd.s32 s3, s5;
	[dreg:$0x0] =	wrdreg $0x0  }
0xa8: {  	s5 =	sshll.u32 s28, $0x1;
	[dreg:$0x2] =	wrdreg s3  }
0xa9: {  	[dreg:$0x3] =	wrdreg s5  }
0xaa: {  	[dreg:$0x4] =	wrdreg $0xC0  }
0xab: {  	_ =	task [dreg:s7], $0x5FFFF  }
0xac: {  	[dreg:$0x1] =	wrdreg $0xFFFFFFFF  }
0xad: {  	[dreg:$0x0] =	wrdreg $0x60  }
0xae: {  	[dreg:$0x2] =	wrdreg s24  }
0xaf: {  	[dreg:$0x3] =	wrdreg s2  }
0xb0: {  	[dreg:$0x4] =	wrdreg $0x9  }
0xb1: {  	_ =	task.clear_ibuf [dreg:s7], $0x5FFFF;
	_ =	strace $0x90000049  }
0xb2: {  	s29 =	simm.s32 $0x9;
	_ =	strace $0x8000004B  }
0xb3: {  	_ =	swait.ge [sflag:s29], $0x1  }
0xb4: {  	[sflag:s29] =	ssyncadd.s32 $0xFFFFFFFF  }
0xb5: {  	_ =	strace $0x9000004B  }
0xb6: {  	_ =	sfence  }
0xb7: {  	s30 =	sld [smem:$0x0];
	_ =	sdelay $0x2  }
0xb8: {  	s31 =	sshll.u32 s1, $0xD;
	s1 =	sshrl.u32 s1, $0x2  }
0xb9: {  	s3 =	sand.u32 $0x4000, s31;
	s1 =	sadd.s32 s1, s30  }
0xba: {  	s0 =	sor.u32 s3, s0;
	s1 =	sshll.u32 s1, $0x11  }
0xbb: {  	s0 =	sor.u32 s1, s0  }
0xbc: {  	s0 =	sadd.s32 $0x8F2B, s0  }
0xbd: {  	[sflag:s0] =	ssyncadd.remote.s32 $0x1  }
0xbe: {  	_ =	sfence.sel $0xFFFF  }
0xbf: {  	[dreg:$0x0] =	wrdreg $0xFFFFFFFF;
	(pc) =	sbr.abs _section_cstart, $3  }
0xc0: {  	[dreg:$0x1] =	wrdreg $0xFFFFFFFF  }
0xc1: {  	_ =	task.clear_ibuf [dreg:s7], $0x2FFFF;
	_ =	strace $0x9FFFFFFF  }
0xc2: {  	(tm) =	ssettm $0x7FFFFFFF  }
0xc3: {  	_ =	shalt  }
tec
execute0_lowered:
.L_overlay_start_1:
0x0: {  	(tag) =	ssettag $0x1  }
0x1: {  	s0 =	srdreg.scid;
	s1 =	rddreg [dreg:$0x0]  }
0x2: {  	s9 =	stileid.u32;
	s2 =	rddreg [dreg:$0x1]  }
0x3: {  	s3 =	simm.s32 $0x0;
	s10 =	simm.s32 $0x32;
	s11 =	simm.s32 $0x7000  }
0x4: {  	s13 =	simm.s32 $0x7640;
	s0 =	sand.u32 $0x1, s0;
	s4 =	sshll.u32 s9, $0xA  }
0x5: {  	[smem:$0x7FF] =	sst s3;
	s26 =	smul.u32 $0x32000, s9;
	s5 =	sshll.u32 s0, $0x9  }
0x6: {  	s6 =	ssub.s32 $0x2, s0;
	s0 =	smul.u32 $0x19000, s0;
	s4 =	sor.u32 s5, s4  }
0x7: {  	s28 =	simm.s32 $0x8;
	_ =	strace $0x8000004A;
	s5 =	smul.u32 $0x7, s4  }
0x8: {  	s22 =	sshrl.u32 s6, $0x1;
	s31 =	sadd.s32 s26, s2;
	s7 =	smul.u32 $0xC8, s4  }
0x9: {  	s26 =	simm.s32 $0x7;
	s8 =	sadd.s32 s5, s1;
	s5 =	sadd.s32 $0xF5F200, s1  }
0xa: {  	s1 =	ssub.s32 s6, s22;
	s24 =	sadd.s32 s2, s7;
	s23 =	sadd.s32 $0xF43200, s8  }
0xb: {  	s22 =	simm.s32 $0x9580;
	s1 =	smax.u32 s1, $0x1;
	[dreg:$0x6] =	wrdreg s23  }
0xc: {  	s6 =	simm.s32 $0x0;
	s25 =	sadd.s32 $0x18DA8, s24;
	[dreg:$0x7] =	wrdreg s1  }
0xd: {  	s29 =	sadd.s32 $0x18C18, s24;
	s30 =	sadd.s32 $0x18CE0, s24;
	[dreg:$0x5] =	wrdreg s25  }
0xe: {  	s8 =	sadd.s32 s0, s31;
	s24 =	simm.s32 $0x9BC0;
	[dreg:$0x3] =	wrdreg s29  }
0xf: {  	[dreg:$0x4] =	wrdreg s30;
	s23 =	simm.s32 $0x1;
	s25 =	simm.s32 $0x2  }
.LBB2_1:
0x10: {  	[dreg:$0x8] =	wrdreg s6  }
0x11: {  	s0 =	rddreg [dreg:$0x6];
	s9 =	simm.s32 $0x11  }
0x12: {  	[tilespmem:s3], [sflag:$0x11] =	stream.linear.gather [hbm4b:s0+s3], $0x7000, $0x38;
	[tilespmem:$0xA200] =	vst v63  }
0x13: {  	_ =	swait.ge [sflag:s9], $0x7000  }
0x14: {  	[sflag:s9] =	ssyncset.done $0x0  }
0x15: {  	[sflag:s9] =	ssyncadd.s32 $0xFFFF9000  }
0x16: {  	[tilespmem:s11], [sflag:$0x1] =	stream.indirect.gather [hbm4b:s5+s10], $0x20, s3, s10, $0xb8;
	[tilespmem:$0xA200] =	vst v63  }
0x17: {  	s12 =	simm.s32 $0x38  }
0x18: {  	[tilespmem:s13], [sflag:$0x2] =	stream.indirect.gather [hbm4b:s5+s10], $0x20, s12, s10, $0xb8;
	[tilespmem:$0xA200] =	vst v63  }
0x19: {  	s14 =	simm.s32 $0x70;
	s1 =	simm.s32 $0x7C80  }
0x1a: {  	[tilespmem:s1], [sflag:$0x3] =	stream.indirect.gather [hbm4b:s5+s10], $0x20, s14, s10, $0xb8;
	[tilespmem:$0xA200] =	vst v63  }
0x1b: {  	s15 =	simm.s32 $0xA8;
	s16 =	simm.s32 $0x82C0  }
0x1c: {  	[tilespmem:s16], [sflag:$0x4] =	stream.indirect.gather [hbm4b:s5+s10], $0x20, s15, s10, $0xb8;
	[tilespmem:$0xA200] =	vst v63  }
0x1d: {  	s17 =	simm.s32 $0xE0;
	s18 =	simm.s32 $0x8900;
	p0 =	por $0x1, $0x1  }
0x1e: {  	[tilespmem:s18], [sflag:$0x5] =	stream.indirect.gather [hbm4b:s5+s10], $0x20, s17, s10, $0xb8;
	[tilespmem:$0xA200] =	vst v63  }
0x1f: {  	s19 =	simm.s32 $0x118;
	s20 =	simm.s32 $0x8F40;
	s0 =	simm.s32 @!p0 $0xF  }
0x20: {  	[tilespmem:s20], [sflag:$0x6] =	stream.indirect.gather [hbm4b:s5+s10], $0x20, s19, s10, $0xb8;
	[tilespmem:$0xA200] =	vst v63  }
0x21: {  	_ =	swait.ge @!p0 [sflag:s0], $0x640  }
0x22: {  	[sflag:s0] =	ssyncset.done @!p0 $0x0  }
0x23: {  	s21 =	simm.s32 $0x150;
	[sflag:s0] =	ssyncadd.s32 @!p0 $0xFFFFF9C0  }
0x24: {  	[tilespmem:s22], [sflag:$0x7] =	stream.indirect.gather [hbm4b:s5+s10], $0x20, s21, s10, $0xb8;
	[tilespmem:$0xA200] =	vst v63  }
0x25: {  	_ =	swait.ge [sflag:s23], $0x640  }
0x26: {  	[sflag:s23] =	ssyncset.done $0x0  }
0x27: {  	s0 =	simm.s32 @!p0 $0x10;
	[sflag:s23] =	ssyncadd.s32 $0xFFFFF9C0  }
0x28: {  	[hbm4b:s8+s3] =	stream.linear.scatter [tilespmem:s11], [sflag:$0x9], $0x640, $0x38;
	[tilespmem:$0xA200] =	vst v63  }
0x29: {  	_ =	swait.ge @!p0 [sflag:s0], $0x640  }
0x2a: {  	[sflag:s0] =	ssyncset.done @!p0 $0x0  }
0x2b: {  	s29 =	simm.s32 $0x188;
	[sflag:s0] =	ssyncadd.s32 @!p0 $0xFFFFF9C0  }
0x2c: {  	[tilespmem:s24], [sflag:$0x8] =	stream.indirect.gather [hbm4b:s5+s10], $0x20, s29, s10, $0xb8;
	[tilespmem:$0xA200] =	vst v63  }
0x2d: {  	_ =	swait.ge [sflag:s25], $0x640  }
0x2e: {  	s30 =	sadd.s32 $0xC8, s8;
	p0 =	por $0x0, $0x0;
	[sflag:s25] =	ssyncset.done $0x0  }
0x2f: {  	s1 =	simm.s32 @p0 $0x3;
	s6 =	smul.u32 @p0 $0xC8, s4;
	[sflag:s25] =	ssyncadd.s32 $0xFFFFF9C0  }
0x30: {  	[hbm4b:s30+s3] =	stream.linear.scatter [tilespmem:s13], [sflag:$0xA], $0x640, $0x38;
	[tilespmem:$0xA200] =	vst v63  }
0x31: {  	s7 =	simm.s32 @p0 $0x0;
	_ =	swait.ge @p0 [sflag:s1], $0x640  }
0x32: {  	s0 =	sadd.s32 @p0 s2, s6;
	s6 =	simm.s32 @p0 $0x7C80;
	[sflag:s1] =	ssyncset.done @p0 $0x0  }
0x33: {  	s0 =	sadd.s32 @p0 $0x18B50, s0;
	[sflag:s1] =	ssyncadd.s32 @p0 $0xFFFFF9C0;
	s1 =	simm.s32 @p0 $0x4  }
0x34: {  	[hbm4b:s0+s7] =	stream.linear.scatter @p0 [tilespmem:s6], [sflag:$0xB], $0x640, $0x38;
	[tilespmem:$0xA200] =	vst v63  }
0x35: {  	_ =	swait.ge @p0 [sflag:s1], $0x640  }
0x36: {  	s6 =	simm.s32 @p0 $0x5;
	[sflag:s1] =	ssyncset.done @p0 $0x0  }
0x37: {  	s0 =	rddreg [dreg:$0x3];
	[sflag:s1] =	ssyncadd.s32 @p0 $0xFFFFF9C0;
	s1 =	simm.s32 @p0 $0x82C0  }
0x38: {  	[hbm4b:s0+s7] =	stream.linear.scatter @p0 [tilespmem:s1], [sflag:$0xC], $0x640, $0x38;
	[tilespmem:$0xA200] =	vst v63  }
0x39: {  	_ =	swait.ge @p0 [sflag:s6], $0x640  }
0x3a: {  	s1 =	simm.s32 @p0 $0x8900;
	[sflag:s6] =	ssyncset.done @p0 $0x0  }
0x3b: {  	s0 =	rddreg [dreg:$0x4];
	[sflag:s6] =	ssyncadd.s32 @p0 $0xFFFFF9C0;
	s6 =	simm.s32 @p0 $0x6  }
0x3c: {  	[hbm4b:s0+s7] =	stream.linear.scatter @p0 [tilespmem:s1], [sflag:$0xD], $0x640, $0x38;
	[tilespmem:$0xA200] =	vst v63  }
0x3d: {  	_ =	swait.ge @p0 [sflag:s6], $0x640  }
0x3e: {  	s1 =	simm.s32 @p0 $0x8F40;
	[sflag:s6] =	ssyncset.done @p0 $0x0  }
0x3f: {  	s0 =	rddreg [dreg:$0x5];
	[sflag:s6] =	ssyncadd.s32 @p0 $0xFFFFF9C0;
	s6 =	simm.s32 @!p0 $0x9  }
0x40: {  	[hbm4b:s0+s7] =	stream.linear.scatter @p0 [tilespmem:s1], [sflag:$0xE], $0x640, $0x38;
	[tilespmem:$0xA200] =	vst v63  }
0x41: {  	_ =	swait.ge @!p0 [sflag:s6], $0x640  }
0x42: {  	s0 =	simm.s32 @!p0 $0x1C0;
	s1 =	simm.s32 @!p0 $0x32;
	[sflag:s6] =	ssyncset.done @!p0 $0x0  }
0x43: {  	s7 =	simm.s32 @!p0 $0x7000;
	[sflag:s6] =	ssyncadd.s32 @!p0 $0xFFFFF9C0;
	s6 =	simm.s32 @!p0 $0x3  }
0x44: {  	[tilespmem:s7], [sflag:$0x1] =	stream.indirect.gather @!p0 [hbm4b:s5+s1], $0x20, s0, s1, $0xb8;
	[tilespmem:$0xA200] =	vst v63  }
0x45: {  	_ =	swait.ge @!p0 [sflag:s6], $0x640  }
0x46: {  	s9 =	simm.s32 @!p0 $0x0;
	s0 =	simm.s32 @!p0 $0x7C80;
	[sflag:s6] =	ssyncset.done @!p0 $0x0  }
0x47: {  	s7 =	sadd.s32 @!p0 $0x190, s8;
	[sflag:s6] =	ssyncadd.s32 @!p0 $0xFFFFF9C0;
	s6 =	simm.s32 @!p0 $0xA  }
0x48: {  	[hbm4b:s7+s9] =	stream.linear.scatter @!p0 [tilespmem:s0], [sflag:$0xB], $0x640, $0x38;
	[tilespmem:$0xA200] =	vst v63  }
0x49: {  	_ =	swait.ge @!p0 [sflag:s6], $0x640  }
0x4a: {  	s17 =	simm.s32 @!p0 $0x7640;
	[sflag:s6] =	ssyncset.done @!p0 $0x0  }
0x4b: {  	s7 =	simm.s32 @!p0 $0x1F8;
	[sflag:s6] =	ssyncadd.s32 @!p0 $0xFFFFF9C0;
	s6 =	simm.s32 @!p0 $0x4  }
0x4c: {  	[tilespmem:s17], [sflag:$0x2] =	stream.indirect.gather @!p0 [hbm4b:s5+s1], $0x20, s7, s1, $0xb8;
	[tilespmem:$0xA200] =	vst v63  }
0x4d: {  	_ =	swait.ge @!p0 [sflag:s6], $0x640  }
0x4e: {  	s7 =	sadd.s32 @!p0 $0x258, s8;
	[sflag:s6] =	ssyncset.done @!p0 $0x0  }
0x4f: {  	s17 =	simm.s32 @!p0 $0x82C0;
	[sflag:s6] =	ssyncadd.s32 @!p0 $0xFFFFF9C0;
	s6 =	simm.s32 @!p0 $0xB  }
0x50: {  	[hbm4b:s7+s9] =	stream.linear.scatter @!p0 [tilespmem:s17], [sflag:$0xC], $0x640, $0x38;
	[tilespmem:$0xA200] =	vst v63  }
0x51: {  	_ =	swait.ge @!p0 [sflag:s6], $0x640  }
0x52: {  	[sflag:s6] =	ssyncset.done @!p0 $0x0  }
0x53: {  	s7 =	simm.s32 @!p0 $0x230;
	[sflag:s6] =	ssyncadd.s32 @!p0 $0xFFFFF9C0;
	s6 =	simm.s32 @!p0 $0x5  }
0x54: {  	[tilespmem:s0], [sflag:$0x3] =	stream.indirect.gather @!p0 [hbm4b:s5+s1], $0x20, s7, s1, $0xb8;
	[tilespmem:$0xA200] =	vst v63  }
0x55: {  	_ =	swait.ge @!p0 [sflag:s6], $0x640  }
0x56: {  	s0 =	sadd.s32 @!p0 $0x320, s8;
	[sflag:s6] =	ssyncset.done @!p0 $0x0  }
0x57: {  	s7 =	simm.s32 @!p0 $0x8900;
	[sflag:s6] =	ssyncadd.s32 @!p0 $0xFFFFF9C0;
	s6 =	simm.s32 @!p0 $0xC  }
0x58: {  	[hbm4b:s0+s9] =	stream.linear.scatter @!p0 [tilespmem:s7], [sflag:$0xD], $0x640, $0x38;
	[tilespmem:$0xA200] =	vst v63  }
0x59: {  	_ =	swait.ge @!p0 [sflag:s6], $0x640  }
0x5a: {  	[sflag:s6] =	ssyncset.done @!p0 $0x0  }
0x5b: {  	s0 =	simm.s32 @!p0 $0x268;
	[sflag:s6] =	ssyncadd.s32 @!p0 $0xFFFFF9C0;
	s6 =	simm.s32 @!p0 $0x6  }
0x5c: {  	[tilespmem:s17], [sflag:$0x4] =	stream.indirect.gather @!p0 [hbm4b:s5+s1], $0x20, s0, s1, $0xb8;
	[tilespmem:$0xA200] =	vst v63  }
0x5d: {  	_ =	swait.ge @!p0 [sflag:s6], $0x640  }
0x5e: {  	s0 =	sadd.s32 @!p0 $0x3E8, s8;
	[sflag:s6] =	ssyncset.done @!p0 $0x0  }
0x5f: {  	s17 =	simm.s32 @!p0 $0x8F40;
	[sflag:s6] =	ssyncadd.s32 @!p0 $0xFFFFF9C0;
	s6 =	simm.s32 @!p0 $0xD  }
0x60: {  	[hbm4b:s0+s9] =	stream.linear.scatter @!p0 [tilespmem:s17], [sflag:$0xE], $0x640, $0x38;
	[tilespmem:$0xA200] =	vst v63  }
0x61: {  	_ =	swait.ge @!p0 [sflag:s6], $0x640  }
0x62: {  	[sflag:s6] =	ssyncset.done @!p0 $0x0  }
0x63: {  	s0 =	simm.s32 @!p0 $0x2A0;
	[sflag:s6] =	ssyncadd.s32 @!p0 $0xFFFFF9C0  }
0x64: {  	[tilespmem:s7], [sflag:$0x5] =	stream.indirect.gather @!p0 [hbm4b:s5+s1], $0x20, s0, s1, $0xb8;
	[tilespmem:$0xA200] =	vst v63  }
0x65: {  	_ =	swait.ge [sflag:s26], $0x640  }
0x66: {  	[sflag:s26] =	ssyncset.done $0x0  }
0x67: {  	s31 =	sadd.s32 $0x4B0, s8;
	s6 =	simm.s32 @!p0 $0xE;
	[sflag:s26] =	ssyncadd.s32 $0xFFFFF9C0  }
0x68: {  	[hbm4b:s31+s3] =	stream.linear.scatter [tilespmem:s22], [sflag:$0xF], $0x640, $0x38;
	[tilespmem:$0xA200] =	vst v63  }
0x69: {  	p1 =	por $0x0, $0x0;
	s18 =	sadd.s32 $0x640, s8;
	_ =	swait.ge @!p0 [sflag:s6], $0x640  }
0x6a: {  	s19 =	simm.s32 $0x700;
	s20 =	sadd.s32 $0x578, s8;
	[sflag:s6] =	ssyncset.done @!p0 $0x0  }
0x6b: {  	s21 =	simm.s32 $0xE00;
	s0 =	simm.s32 @!p0 $0x2D8;
	[sflag:s6] =	ssyncadd.s32 @!p0 $0xFFFFF9C0  }
0x6c: {  	[tilespmem:s17], [sflag:$0x6] =	stream.indirect.gather @!p0 [hbm4b:s5+s1], $0x20, s0, s1, $0xb8;
	[tilespmem:$0xA200] =	vst v63  }
0x6d: {  	s6 =	sadd.s32 $0x640, s18;
	s17 =	sadd.s32 $0x578, s18;
	_ =	swait.ge [sflag:s28], $0x640  }
.LBB2_2:
0x6e: {  	[sflag:s28] =	ssyncset.done $0x0  }
0x6f: {  	s0 =	simm.s32 @!p1 $0xF;
	[sflag:s28] =	ssyncadd.s32 $0xFFFFF9C0  }
0x70: {  	[hbm4b:s20+s3] =	stream.linear.scatter [tilespmem:s24], [sflag:$0x10], $0x640, $0x38;
	[tilespmem:$0xA200] =	vst v63  }
0x71: {  	_ =	swait.ge @!p1 [sflag:s0], $0x640  }
0x72: {  	s7 =	sshra.s32 s19, $0x2;
	[sflag:s0] =	ssyncset.done @!p1 $0x0  }
0x73: {  	s9 =	sadd.s32 $0x150, s7;
	[sflag:s0] =	ssyncadd.s32 @!p1 $0xFFFFF9C0  }
0x74: {  	[tilespmem:s22], [sflag:$0x7] =	stream.indirect.gather [hbm4b:s5+s10], $0x20, s9, s10, $0xb8;
	[tilespmem:$0xA200] =	vst v63  }
0x75: {  	_ =	swait.ge [sflag:s23], $0x640  }
0x76: {  	[sflag:s23] =	ssyncset.done $0x0  }
0x77: {  	s0 =	simm.s32 @!p1 $0x10;
	[sflag:s23] =	ssyncadd.s32 $0xFFFFF9C0  }
0x78: {  	[hbm4b:s18+s3] =	stream.linear.scatter [tilespmem:s11], [sflag:$0x9], $0x640, $0x38;
	[tilespmem:$0xA200] =	vst v63  }
0x79: {  	_ =	swait.ge @!p1 [sflag:s0], $0x640  }
0x7a: {  	[sflag:s0] =	ssyncset.done @!p1 $0x0  }
0x7b: {  	s1 =	sadd.s32 $0x578, s6;
	s16 =	sadd.s32 $0x188, s7;
	[sflag:s0] =	ssyncadd.s32 @!p1 $0xFFFFF9C0  }
0x7c: {  	[tilespmem:s24], [sflag:$0x8] =	stream.indirect.gather [hbm4b:s5+s10], $0x20, s16, s10, $0xb8;
	[tilespmem:$0xA200] =	vst v63  }
0x7d: {  	s30 =	sadd.s32 $0xC8, s18;
	s20 =	smov.u32 s17;
	_ =	swait.ge [sflag:s25], $0x640  }
0x7e: {  	s17 =	smov.u32 s1;
	p1 =	seq.s32 s19, $0x1B900;
	[sflag:s25] =	ssyncset.done $0x0  }
0x7f: {  	s1 =	simm.s32 @p1 $0x3;
	s7 =	smul.u32 @p1 $0xC8, s4;
	[sflag:s25] =	ssyncadd.s32 $0xFFFFF9C0  }
0x80: {  	[hbm4b:s30+s3] =	stream.linear.scatter [tilespmem:s13], [sflag:$0xA], $0x640, $0x38;
	[tilespmem:$0xA200] =	vst v63  }
0x81: {  	s12 =	simm.s32 @p1 $0x0;
	_ =	swait.ge @p1 [sflag:s1], $0x640  }
0x82: {  	s9 =	simm.s32 @p1 $0x4;
	s0 =	sadd.s32 @p1 s2, s7;
	[sflag:s1] =	ssyncset.done @p1 $0x0  }
0x83: {  	s7 =	simm.s32 @p1 $0x7C80;
	s0 =	sadd.s32 @p1 $0x18B50, s0;
	[sflag:s1] =	ssyncadd.s32 @p1 $0xFFFFF9C0  }
0x84: {  	[hbm4b:s0+s12] =	stream.linear.scatter @p1 [tilespmem:s7], [sflag:$0xB], $0x640, $0x38;
	[tilespmem:$0xA200] =	vst v63  }
0x85: {  	_ =	swait.ge @p1 [sflag:s9], $0x640  }
0x86: {  	s15 =	simm.s32 @p1 $0x82C0;
	[sflag:s9] =	ssyncset.done @p1 $0x0  }
0x87: {  	s16 =	simm.s32 @p1 $0x5;
	s14 =	rddreg [dreg:$0x3];
	[sflag:s9] =	ssyncadd.s32 @p1 $0xFFFFF9C0  }
0x88: {  	[hbm4b:s14+s12] =	stream.linear.scatter @p1 [tilespmem:s15], [sflag:$0xC], $0x640, $0x38;
	[tilespmem:$0xA200] =	vst v63  }
0x89: {  	s29 =	smov.u32 s21;
	s19 =	sshra.s32 @!p1 s19, $0x2;
	_ =	swait.ge @p1 [sflag:s16], $0x640  }
0x8a: {  	s31 =	sadd.s32 @!p1 $0x230, s19;
	s15 =	simm.s32 @p1 $0x8900;
	[sflag:s16] =	ssyncset.done @p1 $0x0  }
0x8b: {  	s14 =	rddreg [dreg:$0x4];
	[sflag:s16] =	ssyncadd.s32 @p1 $0xFFFFF9C0;
	s16 =	simm.s32 @p1 $0x6  }
0x8c: {  	[hbm4b:s14+s12] =	stream.linear.scatter @p1 [tilespmem:s15], [sflag:$0xD], $0x640, $0x38;
	[tilespmem:$0xA200] =	vst v63  }
0x8d: {  	s30 =	sadd.s32 @!p1 $0x268, s19;
	s1 =	sadd.s32 @!p1 $0x1F8, s19;
	_ =	swait.ge @p1 [sflag:s16], $0x640  }
0x8e: {  	s0 =	sadd.s32 @!p1 $0x1C0, s19;
	s15 =	simm.s32 @p1 $0x8F40;
	[sflag:s16] =	ssyncset.done @p1 $0x0  }
0x8f: {  	s14 =	rddreg [dreg:$0x5];
	[sflag:s16] =	ssyncadd.s32 @p1 $0xFFFFF9C0;
	s16 =	simm.s32 @!p1 $0x9  }
0x90: {  	[hbm4b:s14+s12] =	stream.linear.scatter @p1 [tilespmem:s15], [sflag:$0xE], $0x640, $0x38;
	[tilespmem:$0xA200] =	vst v63  }
0x91: {  	s7 =	sadd.s32 @!p1 $0x2D8, s19;
	s9 =	sadd.s32 @!p1 $0x2A0, s19;
	_ =	swait.ge @!p1 [sflag:s16], $0x640  }
0x92: {  	s19 =	smov.u32 s29;
	s29 =	simm.s32 @!p1 $0x32;
	[sflag:s16] =	ssyncset.done @!p1 $0x0  }
0x93: {  	s12 =	simm.s32 @!p1 $0x7000;
	s14 =	simm.s32 @!p1 $0x3;
	[sflag:s16] =	ssyncadd.s32 @!p1 $0xFFFFF9C0  }
0x94: {  	[tilespmem:s12], [sflag:$0x1] =	stream.indirect.gather @!p1 [hbm4b:s5+s29], $0x20, s0, s29, $0xb8;
	[tilespmem:$0xA200] =	vst v63  }
0x95: {  	_ =	swait.ge @!p1 [sflag:s14], $0x640  }
0x96: {  	s15 =	sadd.s32 @!p1 $0x190, s18;
	s12 =	simm.s32 @!p1 $0x7C80;
	[sflag:s14] =	ssyncset.done @!p1 $0x0  }
0x97: {  	s0 =	simm.s32 @!p1 $0x0;
	[sflag:s14] =	ssyncadd.s32 @!p1 $0xFFFFF9C0;
	s14 =	simm.s32 @!p1 $0xA  }
0x98: {  	[hbm4b:s15+s0] =	stream.linear.scatter @!p1 [tilespmem:s12], [sflag:$0xB], $0x640, $0x38;
	[tilespmem:$0xA200] =	vst v63  }
0x99: {  	_ =	swait.ge @!p1 [sflag:s14], $0x640  }
0x9a: {  	[sflag:s14] =	ssyncset.done @!p1 $0x0  }
0x9b: {  	s15 =	simm.s32 @!p1 $0x7640;
	[sflag:s14] =	ssyncadd.s32 @!p1 $0xFFFFF9C0;
	s14 =	simm.s32 @!p1 $0x4  }
0x9c: {  	[tilespmem:s15], [sflag:$0x2] =	stream.indirect.gather @!p1 [hbm4b:s5+s29], $0x20, s1, s29, $0xb8;
	[tilespmem:$0xA200] =	vst v63  }
0x9d: {  	_ =	swait.ge @!p1 [sflag:s14], $0x640  }
0x9e: {  	s1 =	sadd.s32 @!p1 $0x258, s18;
	[sflag:s14] =	ssyncset.done @!p1 $0x0  }
0x9f: {  	s15 =	simm.s32 @!p1 $0x82C0;
	[sflag:s14] =	ssyncadd.s32 @!p1 $0xFFFFF9C0;
	s14 =	simm.s32 @!p1 $0xB  }
0xa0: {  	[hbm4b:s1+s0] =	stream.linear.scatter @!p1 [tilespmem:s15], [sflag:$0xC], $0x640, $0x38;
	[tilespmem:$0xA200] =	vst v63  }
0xa1: {  	_ =	swait.ge @!p1 [sflag:s14], $0x640  }
0xa2: {  	[sflag:s14] =	ssyncset.done @!p1 $0x0  }
0xa3: {  	s1 =	simm.s32 @!p1 $0x5;
	[sflag:s14] =	ssyncadd.s32 @!p1 $0xFFFFF9C0  }
0xa4: {  	[tilespmem:s12], [sflag:$0x3] =	stream.indirect.gather @!p1 [hbm4b:s5+s29], $0x20, s31, s29, $0xb8;
	[tilespmem:$0xA200] =	vst v63  }
0xa5: {  	_ =	swait.ge @!p1 [sflag:s1], $0x640  }
0xa6: {  	s14 =	simm.s32 @!p1 $0x8900;
	[sflag:s1] =	ssyncset.done @!p1 $0x0  }
0xa7: {  	s12 =	sadd.s32 @!p1 $0x320, s18;
	[sflag:s1] =	ssyncadd.s32 @!p1 $0xFFFFF9C0;
	s1 =	simm.s32 @!p1 $0xC  }
0xa8: {  	[hbm4b:s12+s0] =	stream.linear.scatter @!p1 [tilespmem:s14], [sflag:$0xD], $0x640, $0x38;
	[tilespmem:$0xA200] =	vst v63  }
0xa9: {  	_ =	swait.ge @!p1 [sflag:s1], $0x640  }
0xaa: {  	[sflag:s1] =	ssyncset.done @!p1 $0x0  }
0xab: {  	[sflag:s1] =	ssyncadd.s32 @!p1 $0xFFFFF9C0;
	s1 =	simm.s32 @!p1 $0x6  }
0xac: {  	[tilespmem:s15], [sflag:$0x4] =	stream.indirect.gather @!p1 [hbm4b:s5+s29], $0x20, s30, s29, $0xb8;
	[tilespmem:$0xA200] =	vst v63  }
0xad: {  	_ =	swait.ge @!p1 [sflag:s1], $0x640  }
0xae: {  	s12 =	sadd.s32 @!p1 $0x3E8, s18;
	[sflag:s1] =	ssyncset.done @!p1 $0x0  }
0xaf: {  	s15 =	simm.s32 @!p1 $0x8F40;
	[sflag:s1] =	ssyncadd.s32 @!p1 $0xFFFFF9C0;
	s1 =	simm.s32 @!p1 $0xD  }
0xb0: {  	[hbm4b:s12+s0] =	stream.linear.scatter @!p1 [tilespmem:s15], [sflag:$0xE], $0x640, $0x38;
	[tilespmem:$0xA200] =	vst v63  }
0xb1: {  	_ =	swait.ge @!p1 [sflag:s1], $0x640  }
0xb2: {  	[sflag:s1] =	ssyncset.done @!p1 $0x0  }
0xb3: {  	[sflag:s1] =	ssyncadd.s32 @!p1 $0xFFFFF9C0  }
0xb4: {  	[tilespmem:s14], [sflag:$0x5] =	stream.indirect.gather @!p1 [hbm4b:s5+s29], $0x20, s9, s29, $0xb8;
	[tilespmem:$0xA200] =	vst v63  }
0xb5: {  	s21 =	sadd.s32 $0x700, s21;
	_ =	swait.ge [sflag:s26], $0x640  }
0xb6: {  	p0 =	sne.s32 s21, $0x1C000;
	[sflag:s26] =	ssyncset.done $0x0  }
0xb7: {  	s31 =	sadd.s32 $0x4B0, s18;
	s1 =	simm.s32 @!p1 $0xE;
	[sflag:s26] =	ssyncadd.s32 $0xFFFFF9C0  }
0xb8: {  	[hbm4b:s31+s3] =	stream.linear.scatter [tilespmem:s22], [sflag:$0xF], $0x640, $0x38;
	[tilespmem:$0xA200] =	vst v63  }
.Ltmp0:
0xb9: {  	_ =	swait.ge @!p1 [sflag:s1], $0x640;
	(pc) =	sbr.rel @p0 .LBB2_2-.Ltmp0, $4  }
0xba: {  	[sflag:s1] =	ssyncset.done @!p1 $0x0  }
0xbb: {  	s18 =	smov.u32 s6;
	[sflag:s1] =	ssyncadd.s32 @!p1 $0xFFFFF9C0  }
0xbc: {  	[tilespmem:s15], [sflag:$0x6] =	stream.indirect.gather @!p1 [hbm4b:s5+s29], $0x20, s7, s29, $0xb8;
	[tilespmem:$0xA200] =	vst v63  }
0xbd: {  	s6 =	sadd.s32 $0x640, s6;
	p1 =	seq.s32 s19, $0x0;
	_ =	swait.ge [sflag:s28], $0x640  }
0xbe: {  	[sflag:s28] =	ssyncset.done $0x0  }
0xbf: {  	s0 =	simm.s32 @!p1 $0xF;
	[sflag:s28] =	ssyncadd.s32 $0xFFFFF9C0  }
0xc0: {  	[hbm4b:s20+s3] =	stream.linear.scatter [tilespmem:s24], [sflag:$0x10], $0x640, $0x38;
	[tilespmem:$0xA200] =	vst v63  }
0xc1: {  	_ =	swait.ge @!p1 [sflag:s0], $0x640  }
0xc2: {  	s1 =	sshra.s32 s19, $0x2;
	[sflag:s0] =	ssyncset.done @!p1 $0x0  }
0xc3: {  	s6 =	sadd.s32 $0x150, s1;
	[sflag:s0] =	ssyncadd.s32 @!p1 $0xFFFFF9C0  }
0xc4: {  	[tilespmem:s22], [sflag:$0x7] =	stream.indirect.gather [hbm4b:s5+s10], $0x20, s6, s10, $0xb8;
	[tilespmem:$0xA200] =	vst v63  }
0xc5: {  	_ =	swait.ge [sflag:s23], $0x640  }
0xc6: {  	[sflag:s23] =	ssyncset.done $0x0  }
0xc7: {  	s0 =	simm.s32 @!p1 $0x10;
	[sflag:s23] =	ssyncadd.s32 $0xFFFFF9C0  }
0xc8: {  	[hbm4b:s18+s3] =	stream.linear.scatter [tilespmem:s11], [sflag:$0x9], $0x640, $0x38;
	[tilespmem:$0xA200] =	vst v63  }
0xc9: {  	_ =	swait.ge @!p1 [sflag:s0], $0x640  }
0xca: {  	[sflag:s0] =	ssyncset.done @!p1 $0x0  }
0xcb: {  	s1 =	sadd.s32 $0x188, s1;
	[sflag:s0] =	ssyncadd.s32 @!p1 $0xFFFFF9C0  }
0xcc: {  	[tilespmem:s24], [sflag:$0x8] =	stream.indirect.gather [hbm4b:s5+s10], $0x20, s1, s10, $0xb8;
	[tilespmem:$0xA200] =	vst v63  }
0xcd: {  	_ =	swait.ge [sflag:s25], $0x640  }
0xce: {  	s12 =	sadd.s32 $0xC8, s18;
	p0 =	seq.s32 s19, $0x1B900;
	[sflag:s25] =	ssyncset.done $0x0  }
0xcf: {  	s6 =	smul.u32 @p0 $0xC8, s4;
	s1 =	simm.s32 @p0 $0x3;
	[sflag:s25] =	ssyncadd.s32 $0xFFFFF9C0  }
0xd0: {  	[hbm4b:s12+s3] =	stream.linear.scatter [tilespmem:s13], [sflag:$0xA], $0x640, $0x38;
	[tilespmem:$0xA200] =	vst v63  }
0xd1: {  	s7 =	simm.s32 @p0 $0x0;
	_ =	swait.ge @p0 [sflag:s1], $0x640  }
0xd2: {  	s0 =	sadd.s32 @p0 s2, s6;
	s6 =	simm.s32 @p0 $0x7C80;
	[sflag:s1] =	ssyncset.done @p0 $0x0  }
0xd3: {  	s0 =	sadd.s32 @p0 $0x18B50, s0;
	[sflag:s1] =	ssyncadd.s32 @p0 $0xFFFFF9C0;
	s1 =	simm.s32 @p0 $0x4  }
0xd4: {  	[hbm4b:s0+s7] =	stream.linear.scatter @p0 [tilespmem:s6], [sflag:$0xB], $0x640, $0x38;
	[tilespmem:$0xA200] =	vst v63  }
0xd5: {  	_ =	swait.ge @p0 [sflag:s1], $0x640  }
0xd6: {  	s6 =	simm.s32 @p0 $0x5;
	[sflag:s1] =	ssyncset.done @p0 $0x0  }
0xd7: {  	s0 =	rddreg [dreg:$0x3];
	[sflag:s1] =	ssyncadd.s32 @p0 $0xFFFFF9C0;
	s1 =	simm.s32 @p0 $0x82C0  }
0xd8: {  	[hbm4b:s0+s7] =	stream.linear.scatter @p0 [tilespmem:s1], [sflag:$0xC], $0x640, $0x38;
	[tilespmem:$0xA200] =	vst v63  }
0xd9: {  	_ =	swait.ge @p0 [sflag:s6], $0x640  }
0xda: {  	s1 =	simm.s32 @p0 $0x8900;
	[sflag:s6] =	ssyncset.done @p0 $0x0  }
0xdb: {  	s0 =	rddreg [dreg:$0x4];
	[sflag:s6] =	ssyncadd.s32 @p0 $0xFFFFF9C0;
	s6 =	simm.s32 @p0 $0x6  }
0xdc: {  	[hbm4b:s0+s7] =	stream.linear.scatter @p0 [tilespmem:s1], [sflag:$0xD], $0x640, $0x38;
	[tilespmem:$0xA200] =	vst v63  }
0xdd: {  	_ =	swait.ge @p0 [sflag:s6], $0x640  }
0xde: {  	s9 =	simm.s32 @!p0 $0x9;
	[sflag:s6] =	ssyncset.done @p0 $0x0  }
0xdf: {  	s1 =	simm.s32 @p0 $0x8F40;
	s0 =	rddreg [dreg:$0x5];
	[sflag:s6] =	ssyncadd.s32 @p0 $0xFFFFF9C0  }
0xe0: {  	[hbm4b:s0+s7] =	stream.linear.scatter @p0 [tilespmem:s1], [sflag:$0xE], $0x640, $0x38;
	[tilespmem:$0xA200] =	vst v63  }
0xe1: {  	s6 =	simm.s32 @!p0 $0x32;
	_ =	swait.ge @!p0 [sflag:s9], $0x640  }
0xe2: {  	s1 =	sshra.s32 @!p0 s19, $0x2;
	s7 =	simm.s32 @!p0 $0x7000;
	[sflag:s9] =	ssyncset.done @!p0 $0x0  }
0xe3: {  	s0 =	sadd.s32 @!p0 $0x1C0, s1;
	[sflag:s9] =	ssyncadd.s32 @!p0 $0xFFFFF9C0;
	s9 =	simm.s32 @!p0 $0x3  }
0xe4: {  	[tilespmem:s7], [sflag:$0x1] =	stream.indirect.gather @!p0 [hbm4b:s5+s6], $0x20, s0, s6, $0xb8;
	[tilespmem:$0xA200] =	vst v63  }
0xe5: {  	_ =	swait.ge @!p0 [sflag:s9], $0x640  }
0xe6: {  	s12 =	simm.s32 @!p0 $0x0;
	s0 =	simm.s32 @!p0 $0x7C80;
	[sflag:s9] =	ssyncset.done @!p0 $0x0  }
0xe7: {  	s7 =	sadd.s32 @!p0 $0x190, s18;
	[sflag:s9] =	ssyncadd.s32 @!p0 $0xFFFFF9C0;
	s9 =	simm.s32 @!p0 $0xA  }
0xe8: {  	[hbm4b:s7+s12] =	stream.linear.scatter @!p0 [tilespmem:s0], [sflag:$0xB], $0x640, $0x38;
	[tilespmem:$0xA200] =	vst v63  }
0xe9: {  	_ =	swait.ge @!p0 [sflag:s9], $0x640  }
0xea: {  	[sflag:s9] =	ssyncset.done @!p0 $0x0  }
0xeb: {  	s7 =	sadd.s32 @!p0 $0x1F8, s1;
	[sflag:s9] =	ssyncadd.s32 @!p0 $0xFFFFF9C0;
	s9 =	simm.s32 @!p0 $0x7640  }
0xec: {  	[tilespmem:s9], [sflag:$0x2] =	stream.indirect.gather @!p0 [hbm4b:s5+s6], $0x20, s7, s6, $0xb8;
	[tilespmem:$0xA200] =	vst v63  }
0xed: {  	s7 =	simm.s32 @!p0 $0x4  }
0xee: {  	_ =	swait.ge @!p0 [sflag:s7], $0x640  }
0xef: {  	[sflag:s7] =	ssyncset.done @!p0 $0x0  }
0xf0: {  	s9 =	sadd.s32 @!p0 $0x258, s18;
	[sflag:s7] =	ssyncadd.s32 @!p0 $0xFFFFF9C0;
	s7 =	simm.s32 @!p0 $0x82C0  }
0xf1: {  	[hbm4b:s9+s12] =	stream.linear.scatter @!p0 [tilespmem:s7], [sflag:$0xC], $0x640, $0x38;
	[tilespmem:$0xA200] =	vst v63  }
0xf2: {  	s9 =	simm.s32 @!p0 $0xB  }
0xf3: {  	_ =	swait.ge @!p0 [sflag:s9], $0x640  }
0xf4: {  	[sflag:s9] =	ssyncset.done @!p0 $0x0  }
0xf5: {  	[sflag:s9] =	ssyncadd.s32 @!p0 $0xFFFFF9C0;
	s9 =	sadd.s32 @!p0 $0x230, s1  }
0xf6: {  	[tilespmem:s0], [sflag:$0x3] =	stream.indirect.gather @!p0 [hbm4b:s5+s6], $0x20, s9, s6, $0xb8;
	[tilespmem:$0xA200] =	vst v63  }
0xf7: {  	s0 =	simm.s32 @!p0 $0x5  }
0xf8: {  	_ =	swait.ge @!p0 [sflag:s0], $0x640  }
0xf9: {  	[sflag:s0] =	ssyncset.done @!p0 $0x0  }
0xfa: {  	s9 =	sadd.s32 @!p0 $0x320, s18;
	[sflag:s0] =	ssyncadd.s32 @!p0 $0xFFFFF9C0;
	s0 =	simm.s32 @!p0 $0x8900  }
0xfb: {  	[hbm4b:s9+s12] =	stream.linear.scatter @!p0 [tilespmem:s0], [sflag:$0xD], $0x640, $0x38;
	[tilespmem:$0xA200] =	vst v63  }
0xfc: {  	s9 =	simm.s32 @!p0 $0xC  }
0xfd: {  	_ =	swait.ge @!p0 [sflag:s9], $0x640  }
0xfe: {  	[sflag:s9] =	ssyncset.done @!p0 $0x0  }
0xff: {  	[sflag:s9] =	ssyncadd.s32 @!p0 $0xFFFFF9C0;
	s9 =	sadd.s32 @!p0 $0x268, s1  }
0x100: {  	[tilespmem:s7], [sflag:$0x4] =	stream.indirect.gather @!p0 [hbm4b:s5+s6], $0x20, s9, s6, $0xb8;
	[tilespmem:$0xA200] =	vst v63  }
0x101: {  	s7 =	simm.s32 @!p0 $0x6  }
0x102: {  	_ =	swait.ge @!p0 [sflag:s7], $0x640  }
0x103: {  	[sflag:s7] =	ssyncset.done @!p0 $0x0  }
0x104: {  	s9 =	sadd.s32 @!p0 $0x3E8, s18;
	[sflag:s7] =	ssyncadd.s32 @!p0 $0xFFFFF9C0;
	s7 =	simm.s32 @!p0 $0x8F40  }
0x105: {  	[hbm4b:s9+s12] =	stream.linear.scatter @!p0 [tilespmem:s7], [sflag:$0xE], $0x640, $0x38;
	[tilespmem:$0xA200] =	vst v63  }
0x106: {  	s9 =	simm.s32 @!p0 $0xD  }
0x107: {  	_ =	swait.ge @!p0 [sflag:s9], $0x640  }
0x108: {  	[sflag:s9] =	ssyncset.done @!p0 $0x0  }
0x109: {  	[sflag:s9] =	ssyncadd.s32 @!p0 $0xFFFFF9C0;
	s9 =	sadd.s32 @!p0 $0x2A0, s1  }
0x10a: {  	[tilespmem:s0], [sflag:$0x5] =	stream.indirect.gather @!p0 [hbm4b:s5+s6], $0x20, s9, s6, $0xb8;
	[tilespmem:$0xA200] =	vst v63  }
0x10b: {  	_ =	swait.ge [sflag:s26], $0x640  }
0x10c: {  	[sflag:s26] =	ssyncset.done $0x0  }
0x10d: {  	s14 =	sadd.s32 $0x4B0, s18;
	s0 =	simm.s32 @!p0 $0xE;
	[sflag:s26] =	ssyncadd.s32 $0xFFFFF9C0  }
0x10e: {  	[hbm4b:s14+s3] =	stream.linear.scatter [tilespmem:s22], [sflag:$0xF], $0x640, $0x38;
	[tilespmem:$0xA200] =	vst v63  }
0x10f: {  	_ =	swait.ge @!p0 [sflag:s0], $0x640  }
0x110: {  	[sflag:s0] =	ssyncset.done @!p0 $0x0  }
0x111: {  	[sflag:s0] =	ssyncadd.s32 @!p0 $0xFFFFF9C0;
	s0 =	sadd.s32 @!p0 $0x2D8, s1  }
0x112: {  	[tilespmem:s7], [sflag:$0x6] =	stream.indirect.gather @!p0 [hbm4b:s5+s6], $0x20, s0, s6, $0xb8;
	[tilespmem:$0xA200] =	vst v63  }
0x113: {  	_ =	swait.ge [sflag:s28], $0x640  }
0x114: {  	[sflag:s28] =	ssyncset.done $0x0  }
0x115: {  	s15 =	simm.s32 $0x9;
	[sflag:s28] =	ssyncadd.s32 $0xFFFFF9C0  }
0x116: {  	[hbm4b:s17+s3] =	stream.linear.scatter [tilespmem:s24], [sflag:$0x10], $0x640, $0x38;
	[tilespmem:$0xA200] =	vst v63  }
0x117: {  	_ =	swait.ge [sflag:s15], $0x640  }
0x118: {  	[sflag:s15] =	ssyncset.done $0x0  }
0x119: {  	s16 =	simm.s32 $0xA;
	[sflag:s15] =	ssyncadd.s32 $0xFFFFF9C0  }
0x11a: {  	_ =	swait.ge [sflag:s16], $0x640  }
0x11b: {  	[sflag:s16] =	ssyncset.done $0x0  }
0x11c: {  	s17 =	simm.s32 $0xB;
	[sflag:s16] =	ssyncadd.s32 $0xFFFFF9C0  }
0x11d: {  	_ =	swait.ge [sflag:s17], $0x640  }
0x11e: {  	[sflag:s17] =	ssyncset.done $0x0  }
0x11f: {  	s18 =	simm.s32 $0xC;
	[sflag:s17] =	ssyncadd.s32 $0xFFFFF9C0  }
0x120: {  	_ =	swait.ge [sflag:s18], $0x640  }
0x121: {  	[sflag:s18] =	ssyncset.done $0x0  }
0x122: {  	s19 =	simm.s32 $0xD;
	[sflag:s18] =	ssyncadd.s32 $0xFFFFF9C0  }
0x123: {  	_ =	swait.ge [sflag:s19], $0x640  }
0x124: {  	[sflag:s19] =	ssyncset.done $0x0  }
0x125: {  	s20 =	simm.s32 $0xE;
	[sflag:s19] =	ssyncadd.s32 $0xFFFFF9C0  }
0x126: {  	_ =	swait.ge [sflag:s20], $0x640  }
0x127: {  	[sflag:s20] =	ssyncset.done $0x0  }
0x128: {  	s21 =	simm.s32 $0xF;
	[sflag:s20] =	ssyncadd.s32 $0xFFFFF9C0  }
0x129: {  	_ =	swait.ge [sflag:s21], $0x640  }
0x12a: {  	[sflag:s21] =	ssyncset.done $0x0  }
0x12b: {  	s29 =	simm.s32 $0x10;
	[sflag:s21] =	ssyncadd.s32 $0xFFFFF9C0  }
0x12c: {  	_ =	swait.ge [sflag:s29], $0x640  }
0x12d: {  	s30 =	rddreg [dreg:$0x8]  }
0x12e: {  	s31 =	rddreg [dreg:$0x7];
	s6 =	sadd.s32 $0x1, s30  }
0x12f: {  	p0 =	sne.s32 s6, s31  }
.Ltmp1:
0x130: {  	_ = 	snop;
	(pc) =	sbr.rel @p0 .LBB2_1-.Ltmp1, $3  }
0x131: {  	_ =	sdelay $0x1  }
0x132: {  	[sflag:s29] =	ssyncset.done $0x0  }
0x133: {  	[sflag:s29] =	ssyncadd.s32 $0xFFFFF9C0  }
0x134: {  	_ =	sfence.sel $0x180000  }
0x135: {  	[bflag:$0x0] =	sbarrier.arrive $0xFFFF  }
0x136: {  	_ =	strace $0x9000004A  }
0x137: {  	s0 =	stileid.u32;
	[bflag:$0x2] =	sbarrier.arrive $0xFFFF  }
0x138: {  	p0 =	sne.s32 s0, $0x0;
	s0 =	rddreg [dreg:$0x2]  }
0x139: {  	s0 =	sadd.s32 @!p0 $0x100000, s0  }
0x13a: {  	[sflag:s0] =	ssyncadd.tile.s32 @!p0 $0x1;
	_ =	shalt  }
.Lfunc_end2:
_tile_overlayer_lowered:
.L_overlay_start_2:
0x13b: {  	(tag) =	ssettag $0x2  }
0x13c: {  	s0 =	rddreg [dreg:$0x0];
	s2 =	stileid.u32  }
0x13d: {  	s1 =	rddreg [dreg:$0x1];
	p0 =	sne.s32 s2, $0x0  }
0x13e: {  	s3 =	rddreg [dreg:$0x2];
	[bflag:$0x3] =	sbarrier.arrive $0xFFFF;
	s2 =	simm.s32 @!p0 $0x1C11  }
0x13f: {  	[timem:s3], [sflag:s2] =	dma.local @!p0 [hbm:s0], s1  }
0x140: {  	s0 =	simm.s32 @!p0 $0x11  }
0x141: {  	_ =	swait.ge @!p0 [sflag:s0], s1  }
0x142: {  	s1 =	ssub.s32 @!p0 $0x0, s1;
	[sflag:s0] =	ssyncset.done @!p0 $0x0  }
0x143: {  	[sflag:s0] =	ssyncadd.s32 @!p0 s1  }
0x144: {  	[bflag:$0x3] =	sbarrier.arrive $0xFFFF  }
0x145: {  	_ =	shalt  }

// kernel: sparse-core-data-format-call.1.cloned.1.call-start
scs
called_computation.1_lowered:
.L_overlay_start_0:
0x0: {  	s2 =	sld [smem:$0x3FD9]  }
0x1: {  	s3 =	sld [smem:$0x3FFE];
	_ =	sdelay $0x1  }
0x2: {  	s1 =	srdreg.scid  }
0x3: {  	s0 =	sand.u32 $0x1, s1  }
0x4: {  	s18 =	sshll.u32 s0, $0xA;
	s2 =	sadd.s32 s3, s2  }
0x5: {  	s2 =	sadd.s32 s2, s18  }
0x6: {  	[smem:$0x3FC6] =	sst s2  }
0x7: {  	_ = 	snop  }
0x8: {  	s2 =	sld [smem:$0x3FC8];
	(tm) =	ssettm $0x1  }
0x9: {  	s19 =	sld [smem:$0x3FFB];
	_ =	sdelay $0x3  }
0xa: {  	_ =	strace s19  }
0xb: {  	s3 =	sld [smem:$0x3FFC];
	_ =	sdelay $0x3  }
0xc: {  	_ =	strace s3  }
0xd: {  	s3 =	sld [smem:$0x3FFD];
	_ =	sdelay $0x3  }
0xe: {  	_ =	strace s3  }
0xf: {  	_ =	strace $0x8FFFFFFF  }
0x10: {  	s20 =	sld [smem:$0x3FDB];
	_ =	sdelay $0x1  }
0x11: {  	s4 =	simm.s32 $_scs_section_size  }
0x12: {  	s5 =	simm.s32 $_size__tile_overlayer_lowered;
	s6 =	simm.s32 $_tile_overlayer_lowered  }
0x13: {  	s23 =	simm.s32 $0x1BFF;
	s22 =	sshll.u32 s6, $0x1;
	s3 =	sadd.s32 s4, s20  }
0x14: {  	s7 =	simm.s32 $0x0;
	s21 =	sshll.u32 s5, $0x1;
	s5 =	sadd.s32 s22, s3  }
0x15: {  	[timem:s7], [sflag:s23] =	dma.local [hbm:s5], s21  }
0x16: {  	_ =	swait.ge [sflag:s23], s21  }
0x17: {  	s4 =	ssub.s32 $0x0, s21;
	[sflag:s23] =	ssyncset.done $0x0  }
0x18: {  	[sflag:s23] =	ssyncadd.s32 s4;
	_ =	sdelay $0x1  }
0x19: {  	s24 =	simm.s32 $0x1B8B  }
0x1a: {  	_ =	swait.ge [sflag:s24], $0x1  }
0x1b: {  	[sflag:s24] =	ssyncset.done $0x0  }
0x1c: {  	s26 =	simm.s32 $0x1B8E;
	s25 =	sld [smem:$0x3FFE];
	[sflag:s24] =	ssyncadd.s32 $0xFFFFFFFF  }
0x1d: {  	s27 =	simm.s32 $execute0_lowered;
	[smem:$0x3FD2] =	sst s26  }
0x1e: {  	s5 =	sshll.u32 s27, $0x1;
	_ =	strace $0x80000046;
	[dreg:$0x1] =	wrdreg $0xFFFFFFFF  }
0x1f: {  	s28 =	simm.s32 $_size_execute0_lowered;
	s3 =	sadd.s32 s3, s5;
	[dreg:$0x0] =	wrdreg $0x0  }
0x20: {  	s5 =	sshll.u32 s28, $0x1;
	[dreg:$0x2] =	wrdreg s3  }
0x21: {  	[dreg:$0x3] =	wrdreg s5  }
0x22: {  	[dreg:$0x4] =	wrdreg $0xC0  }
0x23: {  	_ =	task [dreg:s7], $0x5FFFF  }
0x24: {  	[dreg:$0x1] =	wrdreg $0xFFFFFFFF  }
0x25: {  	[dreg:$0x0] =	wrdreg $0x60  }
0x26: {  	[dreg:$0x2] =	wrdreg s2  }
0x27: {  	[dreg:$0x3] =	wrdreg s25  }
0x28: {  	[dreg:$0x4] =	wrdreg $0x9  }
0x29: {  	_ =	task.clear_ibuf [dreg:s7], $0x5FFFF;
	_ =	strace $0x90000046  }
0x2a: {  	s29 =	simm.s32 $0x9;
	_ =	strace $0x80000048  }
0x2b: {  	_ =	swait.ge [sflag:s29], $0x1  }
0x2c: {  	[sflag:s29] =	ssyncadd.s32 $0xFFFFFFFF  }
0x2d: {  	_ =	strace $0x90000048  }
0x2e: {  	_ =	sfence  }
0x2f: {  	s30 =	sld [smem:$0x0];
	_ =	sdelay $0x2  }
0x30: {  	s31 =	sshll.u32 s1, $0xD;
	s1 =	sshrl.u32 s1, $0x2  }
0x31: {  	s3 =	sand.u32 $0x4000, s31;
	s1 =	sadd.s32 s1, s30  }
0x32: {  	s0 =	sor.u32 s3, s0;
	s1 =	sshll.u32 s1, $0x11  }
0x33: {  	s0 =	sor.u32 s1, s0  }
0x34: {  	s0 =	sadd.s32 $0x8F2B, s0  }
0x35: {  	[sflag:s0] =	ssyncadd.remote.s32 $0x1  }
0x36: {  	_ =	sfence.sel $0xFFFF  }
0x37: {  	[dreg:$0x0] =	wrdreg $0xFFFFFFFF;
	(pc) =	sbr.abs _section_cstart, $3  }
0x38: {  	[dreg:$0x1] =	wrdreg $0xFFFFFFFF  }
0x39: {  	_ =	task.clear_ibuf [dreg:s7], $0x2FFFF;
	_ =	strace $0x9FFFFFFF  }
0x3a: {  	(tm) =	ssettm $0x7FFFFFFF  }
0x3b: {  	_ =	shalt  }
tec
execute0_lowered:
.L_overlay_start_1:
0x0: {  	(tag) =	ssettag $0x1  }
0x1: {  	s0 =	srdreg.scid;
	s2 =	rddreg [dreg:$0x0]  }
0x2: {  	s5 =	rddreg [dreg:$0x1];
	s1 =	stileid.u32  }
0x3: {  	s4 =	simm.s32 $0x1;
	s6 =	simm.s32 $0x2;
	s15 =	simm.s32 $0x0  }
0x4: {  	p0 =	por $0x0, $0x0;
	s8 =	simm.s32 $0x80;
	s0 =	sshll.u32 s0, $0x4  }
0x5: {  	s14 =	simm.s32 $0x0;
	s9 =	simm.s32 $0x0;
	s3 =	sand.u32 $0x10, s0  }
.Ltmp0:
0x6: {  	s10 =	simm.s32 $0x0;
	s3 =	sor.u32 s1, s3;
	(pc) =	sbr.rel .LBB1_1-.Ltmp0, $4  }
0x7: {  	s0 =	rddreg [dreg:$0x2];
	_ =	strace $0x80000047;
	s3 =	sshll.u32 s3, $0x7  }
0x8: {  	s12 =	simm.s32 $0x0;
	[sflag:s4] =	ssyncpa.u1 $0x0;
	s7 =	ssub.s32 $0xF4200, s3  }
0x9: {  	s13 =	simm.s32 $0x0;
	[sflag:s6] =	ssyncpa.u1 $0x0;
	s6 =	sshrl.u32 s7, $0xC  }
0xa: {  	s5 =	sadd.s32 $0xE00, s5;
	s11 =	smov.u32 s3;
	s7 =	sadd.s32 $0x2, s6  }
.LBB1_5:
0xb: {  	p1 =	slt.u32 s13, $0x2  }
0xc: {  	s17 =	smov.u32 s15;
	p2 =	sgt.s32 @!p1 s15, $0xF41C0;
	s16 =	sshra.s32 @!p1 s15, $0x1F  }
0xd: {  	p3 =	sgt.s32 @!p1 s14, $0x60;
	s18 =	sshra.s32 @!p1 s14, $0x1F;
	p2 =	por !p2, p1  }
0xe: {  	s15 =	sand.u32 @!p1 s16, s15;
	p3 =	por !p3, p1;
	s16 =	smov.u32 s14  }
0xf: {  	s14 =	sand.u32 @!p1 s18, s14;
	s17 =	simm.s32 @p2 $0xF41C0;
	s16 =	simm.s32 @p3 $0x60  }
0x10: {  	s15 =	ssub.s32 @!p1 s17, s15;
	s14 =	ssub.s32 @!p1 s16, s14  }
0x11: {  	s18 =	smov.u32 s12;
	s16 =	sadd.s32 @!p1 $0xFFF0BE40, s15;
	s17 =	sadd.s32 @!p1 $0xFFFFFFA0, s14  }
0x12: {  	s15 =	ssub.s32 @!p1 $0xF4240, s15;
	p2 =	sgt.s32 @!p1 s16, $0x7F;
	p3 =	sgt.s32 @!p1 s17, $0x1F  }
0x13: {  	s14 =	ssub.s32 @!p1 $0x80, s14;
	p2 =	por !p2, p1;
	p3 =	por !p3, p1  }
0x14: {  	s16 =	sadd.s32 $0x1000, s11;
	s15 =	simm.s32 @!p2 $0x0;
	s14 =	simm.s32 @!p3 $0x0  }
0x15: {  	p2 =	sgt.s32 s16, $0xF423F;
	s14 =	smul.u32 @!p1 s14, s15;
	s15 =	sadd.s32 $0x20, s12  }
0x16: {  	s18 =	smov.u32 @p2 s15  }
0x17: {  	s16 =	smov.u32 @p2 s3;
	p2 =	sgt.s32 s18, $0x1F  }
0x18: {  	s18 =	simm.s32 @p2 $0x0;
	p2 =	sne.s32 s13, s7  }
.Ltmp1:
0x19: {  	p0 =	por !p0, !p0;
	s17 =	simm.s32 @!p1 $0x2;
	(pc) =	sbr.rel @!p2 .LBB1_6-.Ltmp1, $4  }
0x1a: {  	s15 =	smov.u32 s9;
	s9 =	smov.u32 s11;
	s14 =	sand.u32 @!p1 $0x3FFFFFFF, s14  }
0x1b: {  	s11 =	smov.u32 s16;
	_ =	swait.ge @!p1 [sflag:s17], s14;
	s19 =	ssub.s32 @!p1 $0x0, s14  }
0x1c: {  	s14 =	smov.u32 s10;
	s13 =	sadd.s32 $0x1, s13;
	[sflag:s17] =	ssyncset.done @!p1 $0x0  }
0x1d: {  	s10 =	smov.u32 s12;
	s12 =	smov.u32 s18;
	[sflag:s17] =	ssyncadd.s32 @!p1 s19  }
.LBB1_1:
0x1e: {  	p1 =	sgt.u32 s13, s6  }
0x1f: {  	s16 =	sshrl.u32 @!p1 s12, $0x3  }
0x20: {  	s17 =	sshll.u32 @!p1 s11, $0x3;
	s16 =	smul.u32 @!p1 $0x7A1400, s16  }
0x21: {  	s18 =	sshll.u32 @!p1 s12, $0x7;
	s17 =	sand.u32 @!p1 $0xFFFFFC00, s17  }
0x22: {  	s16 =	sadd.s32 @!p1 s16, s17;
	s17 =	sand.u32 @!p1 $0x380, s18  }
0x23: {  	s18 =	sand.u32 @!p1 $0x7F, s11;
	s16 =	sor.u32 @!p1 s17, s16  }
0x24: {  	s17 =	sor.u32 @!p1 s18, s16  }
0x25: {  	s18 =	smulhi.u32 @!p1 $0x218D6287, s17;
	_ =	sdelay $0x1  }
0x26: {  	s16 =	smulhi.u32 @!p1 $0x218D6287, s16;
	s18 =	sshrl.u32 @!p1 s18, $0x11  }
0x27: {  	s18 =	smul.u32 @!p1 $0xF4280, s18  }
0x28: {  	s19 =	sxor.u32 @!p1 $0xFFFFFFFF, s13;
	s16 =	sshrl.u32 @!p1 s16, $0x11  }
0x29: {  	s19 =	sshll.u32 @!p1 s19, $0xC;
	s16 =	sand.u32 @!p1 $0x1F, s16;
	s17 =	ssub.s32 @!p1 s17, s18  }
0x2a: {  	s16 =	smul.u32 @!p1 $0x1E850, s16;
	s18 =	sshrl.u32 @!p1 s17, $0x3;
	s17 =	sand.u32 @!p1 $0x7, s17  }
0x2b: {  	s19 =	sand.u32 @!p1 $0x1000, s19;
	s18 =	sadd.s32 @!p1 s2, s18;
	s17 =	sshll.u32 @!p1 s17, $0x12  }
0x2c: {  	s16 =	sadd.s32 @!p1 s16, s18;
	s17 =	sor.u32 @!p1 $0x400, s17;
	s18 =	simm.s32 @!p1 $0x7A1400  }
0x2d: {  	[tilespmem:s19], [sflag:$0x1] =	stream.strided.gather @!p1 [hbm4b:s16+s17], $0x1000, s18, s17, $0x38;
	[tilespmem:$0x4100] =	vst v63  }
0x2e: {  	p1 =	seq.s32 s13, $0x0  }
0x2f: {  	p2 =	sge.u32 @!p1 s13, s7  }
0x30: {  	p1 =	por p1, p2  }
.Ltmp2:
0x31: {  	_ = 	snop;
	(pc) =	sbr.rel @p1 .LBB1_5-.Ltmp2, $1  }
0x32: {  	_ =	sdelay $0x3  }
0x33: {  	s16 =	simm.s32 $0x1  }
0x34: {  	_ =	swait.ge [sflag:s4], $0x1000;
	s16 =	simm.s32 @!p0 $0x0  }
0x35: {  	[sflag:s4] =	ssyncset.done $0x0;
	s17 =	sshll.u32 s16, $0xC  }
0x36: {  	[sflag:s4] =	ssyncadd.s32 $0xFFFFF000;
	s17 =	sor.u32 $0x40, s17  }
0x37: {  	s16 =	smul.u32 $0x4200, s16;
	v0 =	vld [tilespmem:s17+$0x30]  }
0x38: {  	v1 =	vld [tilespmem:s17+$0xFFFFFFD0]  }
0x39: {  	s16 =	sshrl.u32 s16, $0x2;
	v5 =	vld [tilespmem:s17+$0xFFFFFFE0]  }
0x3a: {  	v6 =	vld [tilespmem:s17+$0xFFFFFFF0];
	s19 =	sor.u32 $0x2000, s16  }
0x3b: {  	s31 =	sand.u32 $0x1, s13;
	v4 =	vld [tilespmem:s17+$0x0];
	s18 =	sadd.s32 $0x0, s19  }
0x3c: {  	v3 =	vld [tilespmem:s17+$0x10];
	s16 =	smul.u32 $0x4200, s31;
	[tilespmem:s18+$0xE70 ss:$0x21] =	vst.msk $0xffff, v0  }
0x3d: {  	v2 =	vld [tilespmem:s17+$0x20];
	[tilespmem:s18+$0x210 ss:$0x21] =	vst.msk $0xffff, v1  }
0x3e: {  	s16 =	sshrl.u32 s16, $0x2;
	v1 =	vld [tilespmem:s17+$0xFFFFFFC0];
	[tilespmem:s18+$0x420 ss:$0x21] =	vst.msk $0xffff, v5;
	s17 =	sadd.s32 $0x80, s17  }
0x3f: {  	s20 =	simm.s32 $0x4;
	s21 =	simm.s32 $0x8;
	s16 =	sor.u32 $0x2000, s16;
	[tilespmem:s18+$0x630 ss:$0x21] =	vst.msk $0xffff, v6;
	v0 =	vld [tilespmem:s17+$0x30]  }
.LBB1_3:
0x40: {  	p1 =	sne.s32 s21, $0x7C;
	v5 =	vld [tilespmem:s17+$0xFFFFFFD0];
	[tilespmem:s18+$0x840 ss:$0x21] =	vst.msk $0xffff, v4  }
0x41: {  	v6 =	vld [tilespmem:s17+$0xFFFFFFE0];
	[tilespmem:s18+$0xA50 ss:$0x21] =	vst.msk $0xffff, v3  }
0x42: {  	s22 =	sshra.s32 s20, $0x2;
	s20 =	smov.u32 s21;
	v7 =	vld [tilespmem:s17+$0xFFFFFFF0];
	[tilespmem:s18+$0xC60 ss:$0x21] =	vst.msk $0xffff, v2  }
.Ltmp3:
0x43: {  	v4 =	vld [tilespmem:s17+$0x0];
	[tilespmem:s18+$0x0 ss:$0x21] =	vst.msk $0xffff, v1;
	s18 =	sadd.s32 s22, s19;
	(pc) =	sbr.rel @p1 .LBB1_3-.Ltmp3, $4  }
0x44: {  	v3 =	vld [tilespmem:s17+$0x10];
	[tilespmem:s18+$0xE70 ss:$0x21] =	vst.msk $0xffff, v0  }
0x45: {  	[tilespmem:s18+$0x210 ss:$0x21] =	vst.msk $0xffff, v5;
	v2 =	vld [tilespmem:s17+$0x20]  }
0x46: {  	v1 =	vld [tilespmem:s17+$0xFFFFFFC0];
	[tilespmem:s18+$0x420 ss:$0x21] =	vst.msk $0xffff, v6;
	s17 =	sadd.s32 $0x80, s17  }
0x47: {  	s21 =	sadd.s32 $0x4, s21;
	v0 =	vld [tilespmem:s17+$0x30];
	[tilespmem:s18+$0x630 ss:$0x21] =	vst.msk $0xffff, v7  }
0x48: {  	s21 =	sshll.u32 s9, $0x7;
	s22 =	sshll.u32 s10, $0x3;
	s20 =	sshra.s32 s20, $0x2  }
0x49: {  	p1 =	sgt.s32 s9, $0xF41C0;
	s30 =	sshra.s32 s9, $0x1F;
	s25 =	sshra.s32 s10, $0x1F  }
0x4a: {  	v5 =	vld [tilespmem:s17+$0xFFFFFFD0];
	s28 =	sshrl.u32 s10, $0x3;
	s23 =	sand.u32 $0xFFFFFC00, s21;
	s22 =	sand.u32 $0xFFFFFC00, s22  }
0x4b: {  	[tilespmem:s18+$0x840 ss:$0x21] =	vst.msk $0xffff, v4;
	v58 =	vld [tilespmem:s17+$0xFFFFFFE0];
	s21 =	sand.u32 $0x380, s21;
	s19 =	sadd.s32 s20, s19;
	s22 =	sadd.s32 s22, s23  }
0x4c: {  	v59 =	vld [tilespmem:s17+$0xFFFFFFF0];
	[tilespmem:s18+$0xA50 ss:$0x21] =	vst.msk $0xffff, v3;
	s29 =	sor.u32 s21, s22;
	s21 =	smov.u32 s9;
	s22 =	sand.u32 s30, s9  }
0x4d: {  	v60 =	vld [tilespmem:s17+$0x0];
	[tilespmem:s18+$0xC60 ss:$0x21] =	vst.msk $0xffff, v2;
	s30 =	sand.u32 $0x7, s10;
	s20 =	sshrl.u32 s29, $0x7;
	s21 =	simm.s32 @!p1 $0xF41C0  }
0x4e: {  	v61 =	vld [tilespmem:s17+$0x10];
	[tilespmem:s18+$0x0 ss:$0x21] =	vst.msk $0xffff, v1;
	p1 =	sgt.s32 s10, $0x60;
	s24 =	ssub.s32 s21, s22;
	s21 =	smov.u32 s10  }
0x4f: {  	v62 =	vld [tilespmem:s17+$0x20];
	[tilespmem:s19+$0xE70 ss:$0x21] =	vst.msk $0xffff, v0;
	s31 =	smulhi.u32 $0x218DEF5, s20;
	s22 =	sand.u32 s25, s10;
	s21 =	simm.s32 @!p1 $0x60  }
0x50: {  	v63 =	vld [tilespmem:s17+$0xFFFFFFC0];
	[tilespmem:s19+$0x210 ss:$0x21] =	vst.msk $0xffff, v5;
	s26 =	sadd.s32 $0xFFF0BE40, s24;
	s17 =	ssub.s32 $0xF4240, s24;
	s21 =	ssub.s32 s21, s22  }
0x51: {  	[tilespmem:s19+$0x420 ss:$0x21] =	vst.msk $0xffff, v58;
	s23 =	sshrl.u32 s31, $0xD;
	p1 =	sgt.s32 s26, $0x7F;
	s27 =	sadd.s32 $0xFFFFFFA0, s21  }
0x52: {  	[tilespmem:s19+$0x630 ss:$0x21] =	vst.msk $0xffff, v59;
	s23 =	smul.u32 $0xF4240, s23;
	s18 =	ssub.s32 $0x80, s21;
	p2 =	sgt.s32 s27, $0x1F  }
.Ltmp4:
0x53: {  	[tilespmem:s19+$0x840 ss:$0x21] =	vst.msk $0xffff, v60;
	s17 =	simm.s32 @p1 $0x0;
	s18 =	simm.s32 @p2 $0x0;
	(pc) =	sbr.rel .LBB1_5-.Ltmp4, $4  }
0x54: {  	s29 =	sand.u32 $0xF, s28;
	[tilespmem:s19+$0xA50 ss:$0x21] =	vst.msk $0xffff, v61;
	s20 =	ssub.s32 s20, s23;
	s17 =	smul.u32 s18, s17  }
0x55: {  	[tilespmem:s19+$0xC60 ss:$0x21] =	vst.msk $0xffff, v62;
	s21 =	sshll.u32 s30, $0x12;
	s20 =	sshll.u32 s20, $0x4;
	s18 =	sadd.s32 s5, s29  }
0x56: {  	[tilespmem:s19+$0x0 ss:$0x21] =	vst.msk $0xffff, v63;
	s31 =	sor.u32 $0x20, s21;
	s18 =	sadd.s32 s20, s18;
	s17 =	sand.u32 $0x3FFFFFFF, s17  }
0x57: {  	[hbm4b:s18+s31] =	stream.strided.scatter [tilespmem:s16], [sflag:$0x2], s17, s8, s31, $0x10;
	[tilespmem:$0x4100] =	vst v63  }
.LBB1_6:
0x58: {  	_ =	sfence.sel $0x180000  }
0x59: {  	s2 =	simm.s32 $0x1;
	[bflag:$0x0] =	sbarrier.arrive $0xFFFF  }
0x5a: {  	s31 =	simm.s32 $0x2;
	[sflag:s2] =	ssyncpa.u1 $0x1  }
0x5b: {  	[sflag:s31] =	ssyncpa.u1 $0x1  }
0x5c: {  	p0 =	sne.s32 s1, $0x0;
	_ =	strace $0x90000047  }
0x5d: {  	s0 =	sadd.s32 @!p0 $0x100000, s0;
	[bflag:$0x2] =	sbarrier.arrive $0xFFFF  }
0x5e: {  	[sflag:s0] =	ssyncadd.tile.s32 @!p0 $0x1;
	_ =	shalt  }
.Lfunc_end1:
_tile_overlayer_lowered:
.L_overlay_start_2:
0x5f: {  	(tag) =	ssettag $0x2  }
0x60: {  	s0 =	rddreg [dreg:$0x0];
	s2 =	stileid.u32  }
0x61: {  	s1 =	rddreg [dreg:$0x1];
	p0 =	sne.s32 s2, $0x0  }
0x62: {  	s3 =	rddreg [dreg:$0x2];
	[bflag:$0x3] =	sbarrier.arrive $0xFFFF;
	s2 =	simm.s32 @!p0 $0x1C01  }
0x63: {  	[timem:s3], [sflag:s2] =	dma.local @!p0 [hbm:s0], s1  }
0x64: {  	s0 =	simm.s32 @!p0 $0x1  }
0x65: {  	_ =	swait.ge @!p0 [sflag:s0], s1  }
0x66: {  	s1 =	ssub.s32 @!p0 $0x0, s1;
	[sflag:s0] =	ssyncset.done @!p0 $0x0  }
0x67: {  	[sflag:s0] =	ssyncadd.s32 @!p0 s1  }
0x68: {  	[bflag:$0x3] =	sbarrier.arrive $0xFFFF  }
0x69: {  	_ =	shalt  }

// kernel: sparse-core-data-format-call.cloned.1.call-start
scs
called_computation_lowered:
.L_overlay_start_0:
0x0: {  	s2 =	sld [smem:$0x3FD9]  }
0x1: {  	s3 =	sld [smem:$0x3FFE];
	_ =	sdelay $0x1  }
0x2: {  	s1 =	srdreg.scid  }
0x3: {  	s0 =	sand.u32 $0x1, s1  }
0x4: {  	s18 =	sshll.u32 s0, $0xA;
	s2 =	sadd.s32 s3, s2  }
0x5: {  	s2 =	sadd.s32 s2, s18  }
0x6: {  	[smem:$0x3FC6] =	sst s2  }
0x7: {  	_ = 	snop  }
0x8: {  	s2 =	sld [smem:$0x3FD0];
	(tm) =	ssettm $0x1  }
0x9: {  	s19 =	sld [smem:$0x3FFB];
	_ =	sdelay $0x3  }
0xa: {  	_ =	strace s19  }
0xb: {  	s3 =	sld [smem:$0x3FFC];
	_ =	sdelay $0x3  }
0xc: {  	_ =	strace s3  }
0xd: {  	s3 =	sld [smem:$0x3FFD];
	_ =	sdelay $0x3  }
0xe: {  	_ =	strace s3  }
0xf: {  	_ =	strace $0x8FFFFFFF  }
0x10: {  	s20 =	sld [smem:$0x3FDB];
	_ =	sdelay $0x1  }
0x11: {  	s4 =	simm.s32 $_scs_section_size  }
0x12: {  	s5 =	simm.s32 $_size__tile_overlayer_lowered;
	s6 =	simm.s32 $_tile_overlayer_lowered  }
0x13: {  	s23 =	simm.s32 $0x1BFF;
	s22 =	sshll.u32 s6, $0x1;
	s3 =	sadd.s32 s4, s20  }
0x14: {  	s7 =	simm.s32 $0x0;
	s21 =	sshll.u32 s5, $0x1;
	s5 =	sadd.s32 s22, s3  }
0x15: {  	[timem:s7], [sflag:s23] =	dma.local [hbm:s5], s21  }
0x16: {  	_ =	swait.ge [sflag:s23], s21  }
0x17: {  	s4 =	ssub.s32 $0x0, s21;
	[sflag:s23] =	ssyncset.done $0x0  }
0x18: {  	[sflag:s23] =	ssyncadd.s32 s4;
	_ =	sdelay $0x1  }
0x19: {  	s24 =	simm.s32 $0x1B8B  }
0x1a: {  	_ =	swait.ge [sflag:s24], $0x1  }
0x1b: {  	[sflag:s24] =	ssyncset.done $0x0  }
0x1c: {  	s26 =	simm.s32 $0x1B8E;
	s25 =	sld [smem:$0x3FFE];
	[sflag:s24] =	ssyncadd.s32 $0xFFFFFFFF  }
0x1d: {  	s27 =	simm.s32 $execute0_lowered;
	[smem:$0x3FD2] =	sst s26  }
0x1e: {  	s5 =	sshll.u32 s27, $0x1;
	_ =	strace $0x8000004C;
	[dreg:$0x1] =	wrdreg $0xFFFFFFFF  }
0x1f: {  	s28 =	simm.s32 $_size_execute0_lowered;
	s3 =	sadd.s32 s3, s5;
	[dreg:$0x0] =	wrdreg $0x0  }
0x20: {  	s5 =	sshll.u32 s28, $0x1;
	[dreg:$0x2] =	wrdreg s3  }
0x21: {  	[dreg:$0x3] =	wrdreg s5  }
0x22: {  	[dreg:$0x4] =	wrdreg $0xC0  }
0x23: {  	_ =	task [dreg:s7], $0x5FFFF  }
0x24: {  	[dreg:$0x1] =	wrdreg $0xFFFFFFFF  }
0x25: {  	[dreg:$0x0] =	wrdreg $0x60  }
0x26: {  	[dreg:$0x2] =	wrdreg s25  }
0x27: {  	[dreg:$0x3] =	wrdreg s2  }
0x28: {  	[dreg:$0x4] =	wrdreg $0x9  }
0x29: {  	_ =	task.clear_ibuf [dreg:s7], $0x5FFFF;
	_ =	strace $0x9000004C  }
0x2a: {  	s29 =	simm.s32 $0x9;
	_ =	strace $0x8000004E  }
0x2b: {  	_ =	swait.ge [sflag:s29], $0x1  }
0x2c: {  	[sflag:s29] =	ssyncadd.s32 $0xFFFFFFFF  }
0x2d: {  	_ =	strace $0x9000004E  }
0x2e: {  	_ =	sfence  }
0x2f: {  	s30 =	sld [smem:$0x0];
	_ =	sdelay $0x2  }
0x30: {  	s31 =	sshll.u32 s1, $0xD;
	s1 =	sshrl.u32 s1, $0x2  }
0x31: {  	s3 =	sand.u32 $0x4000, s31;
	s1 =	sadd.s32 s1, s30  }
0x32: {  	s0 =	sor.u32 s3, s0;
	s1 =	sshll.u32 s1, $0x11  }
0x33: {  	s0 =	sor.u32 s1, s0  }
0x34: {  	s0 =	sadd.s32 $0x8F2B, s0  }
0x35: {  	[sflag:s0] =	ssyncadd.remote.s32 $0x1  }
0x36: {  	_ =	sfence.sel $0xFFFF  }
0x37: {  	[dreg:$0x0] =	wrdreg $0xFFFFFFFF;
	(pc) =	sbr.abs _section_cstart, $3  }
0x38: {  	[dreg:$0x1] =	wrdreg $0xFFFFFFFF  }
0x39: {  	_ =	task.clear_ibuf [dreg:s7], $0x2FFFF;
	_ =	strace $0x9FFFFFFF  }
0x3a: {  	(tm) =	ssettm $0x7FFFFFFF  }
0x3b: {  	_ =	shalt  }
tec
execute0_lowered:
.L_overlay_start_1:
0x0: {  	(tag) =	ssettag $0x1  }
0x1: {  	s0 =	srdreg.scid  }
0x2: {  	s1 =	sshll.u32 s0, $0x4  }
0x3: {  	s0 =	stileid.u32;
	s1 =	sand.u32 $0x10, s1  }
0x4: {  	s1 =	sor.u32 s0, s1  }
0x5: {  	s6 =	rddreg [dreg:$0x0];
	s4 =	simm.s32 $0x1;
	s2 =	sshll.u32 s1, $0x7  }
0x6: {  	s7 =	simm.s32 $0x2;
	s12 =	simm.s32 $0x0;
	s1 =	ssub.s32 $0x4000, s2  }
0x7: {  	s8 =	simm.s32 $0x20000;
	s13 =	simm.s32 $0x0;
	s3 =	sand.u32 $0xF80, s1  }
0x8: {  	s9 =	simm.s32 $0x0;
	s5 =	sshrl.u32 s1, $0xC;
	p0 =	sne.s32 s3, $0x0  }
.Ltmp0:
0x9: {  	s1 =	rddreg [dreg:$0x2];
	s4 =	simm.s32 @!p0 $0x0;
	(pc) =	sbr.rel .LBB1_1-.Ltmp0, $4  }
0xa: {  	s11 =	simm.s32 $0x0;
	s3 =	rddreg [dreg:$0x1];
	s5 =	sadd.s32 s4, s5  }
0xb: {  	_ =	strace $0x8000004D;
	s4 =	simm.s32 $0x1;
	s5 =	smul.u32 $0x32, s5  }
0xc: {  	s6 =	sadd.s32 $0xE00, s6;
	s10 =	smov.u32 s2;
	[sflag:s4] =	ssyncpa.u1 $0x0  }
0xd: {  	p0 =	por $0x0, $0x0;
	[sflag:s7] =	ssyncpa.u1 $0x0;
	s7 =	sor.u32 $0x1, s5  }
.LBB1_4:
0xe: {  	s16 =	sshll.u32 s13, $0x3;
	s17 =	sand.u32 $0x78, s13  }
0xf: {  	s30 =	sand.u32 $0xF800, s13;
	s12 =	sshll.u32 s12, $0x10;
	s16 =	sand.u32 $0x3C00, s16  }
0x10: {  	s31 =	sand.u32 $0x7, s13;
	s16 =	sor.u32 s17, s16;
	s17 =	sadd.s32 s3, s30  }
0x11: {  	s13 =	sshll.u32 s31, $0x12;
	s16 =	sshrl.u32 s16, $0x3;
	s12 =	sadd.s32 s12, s17  }
0x12: {  	[tilespmem:s15+$0x0 ss:$0x81] =	vst.msk $0xffff, v0;
	s13 =	sor.u32 $0x400, s13;
	s12 =	sadd.s32 s16, s12  }
0x13: {  	[hbm4b:s12+s13] =	stream.strided.scatter [tilespmem:s14], [sflag:$0x2], $0x1000, s8, s13, $0x20;
	[tilespmem:$0x4040] =	vst v63  }
.LBB1_5:
0x14: {  	s14 =	sadd.s32 $0x1, s9  }
0x15: {  	s12 =	sadd.s32 $0x1000, s10;
	s16 =	smov.u32 s10;
	p2 =	sgt.s32 s14, $0x31  }
0x16: {  	s16 =	smov.u32 @p2 s12  }
0x17: {  	s14 =	simm.s32 @p2 $0x0;
	p2 =	sgt.s32 s16, $0x3FFF  }
0x18: {  	s16 =	smov.u32 @p2 s2;
	p2 =	sne.s32 s11, s7  }
.Ltmp1:
0x19: {  	p1 =	slt.u32 s11, $0x2;
	(pc) =	sbr.rel @!p2 .LBB1_6-.Ltmp1, $4  }
0x1a: {  	s15 =	simm.s32 @!p1 $0x2  }
0x1b: {  	s13 =	smov.u32 s10;
	p0 =	por !p0, !p0;
	_ =	swait.ge @!p1 [sflag:s15], $0x1000  }
0x1c: {  	s12 =	smov.u32 s9;
	[sflag:s15] =	ssyncset.done @!p1 $0x0;
	s9 =	smov.u32 s14  }
0x1d: {  	s11 =	sadd.s32 $0x1, s11;
	[sflag:s15] =	ssyncadd.s32 @!p1 $0xFFFFF000;
	s10 =	smov.u32 s16  }
.LBB1_1:
0x1e: {  	p1 =	sge.u32 s11, s5  }
0x1f: {  	s14 =	sand.u32 @!p1 $0x1FFFFFF, s9  }
0x20: {  	s15 =	smulhi.u32 @!p1 $0x4924925, s14;
	_ =	sdelay $0x1  }
0x21: {  	s15 =	smul.u32 @!p1 $0x38, s15  }
0x22: {  	s16 =	sxor.u32 @!p1 $0xFFFFFFFF, s11;
	s17 =	smul.u32 @!p1 $0x380, s10  }
0x23: {  	s31 =	sadd.s32 $0xFFFFFFFF, s11;
	s16 =	sshll.u32 @!p1 s16, $0xC;
	s14 =	ssub.s32 @!p1 s14, s15  }
0x24: {  	s15 =	sand.u32 @!p1 $0x1000, s16;
	s16 =	sadd.s32 @!p1 s6, s17;
	s14 =	sshll.u32 @!p1 s14, $0x4  }
0x25: {  	s17 =	simm.s32 @!p1 $0x1C00;
	s14 =	sadd.s32 @!p1 s14, s16;
	s16 =	simm.s32 @!p1 $0x20  }
0x26: {  	[tilespmem:s15], [sflag:$0x1] =	stream.strided.gather @!p1 [hbm4b:s14+s16], $0x1000, s17, s16, $0x38;
	[tilespmem:$0x4040] =	vst v63  }
0x27: {  	p1 =	sge.u32 s31, s5  }
.Ltmp2:
0x28: {  	_ = 	snop;
	(pc) =	sbr.rel @p1 .LBB1_5-.Ltmp2, $1  }
0x29: {  	_ =	sdelay $0x3  }
0x2a: {  	s14 =	simm.s32 $0x1  }
0x2b: {  	_ =	swait.ge [sflag:s4], $0x1000;
	s14 =	simm.s32 @!p0 $0x0  }
0x2c: {  	[sflag:s4] =	ssyncset.done $0x0;
	s15 =	sshll.u32 s14, $0xC  }
0x2d: {  	[sflag:s4] =	ssyncadd.s32 $0xFFFFF000;
	s18 =	sor.u32 $0x10, s15  }
0x2e: {  	s14 =	smul.u32 $0x4080, s14;
	v1 =	vld [tilespmem:s18+$0x0]  }
0x2f: {  	s30 =	sand.u32 $0x1, s11;
	v0 =	vld [tilespmem:s18+$0xFFFFFFF0]  }
0x30: {  	s15 =	smul.u32 $0x4080, s30;
	s14 =	sshrl.u32 s14, $0x2  }
0x31: {  	s16 =	sor.u32 $0x2000, s14  }
0x32: {  	s31 =	sshrl.u32 s15, $0x2;
	s15 =	sadd.s32 $0x0, s16  }
0x33: {  	s17 =	simm.s32 $0x4;
	s18 =	sadd.s32 $0x20, s18;
	s14 =	sor.u32 $0x2000, s31;
	[tilespmem:s15+$0x810 ss:$0x81] =	vst.msk $0xffff, v1  }
.LBB1_3:
0x34: {  	v1 =	vld [tilespmem:s18+$0x0];
	p1 =	sne.s32 s17, $0x1FC;
	[tilespmem:s15+$0x0 ss:$0x81] =	vst.msk $0xffff, v0;
	s15 =	smov.u32 s17;
	s17 =	sadd.s32 $0x4, s17  }
.Ltmp3:
0x35: {  	v0 =	vld [tilespmem:s18+$0xFFFFFFF0];
	(pc) =	sbr.rel @p1 .LBB1_3-.Ltmp3, $4  }
0x36: {  	_ = 	snop  }
0x37: {  	s15 =	sshra.s32 s15, $0x2  }
0x38: {  	s15 =	sadd.s32 s15, s16  }
0x39: {  	s18 =	sadd.s32 $0x20, s18;
	[tilespmem:s15+$0x810 ss:$0x81] =	vst.msk $0xffff, v1  }
.Ltmp4:
0x3a: {  	_ = 	snop;
	(pc) =	sbr.rel .LBB1_4-.Ltmp4, $1  }
0x3b: {  	_ =	sdelay $0x3  }
.LBB1_6:
0x3c: {  	_ =	sfence.sel $0x180000  }
0x3d: {  	s2 =	simm.s32 $0x1;
	[bflag:$0x0] =	sbarrier.arrive $0xFFFF  }
0x3e: {  	s31 =	simm.s32 $0x2;
	[sflag:s2] =	ssyncpa.u1 $0x1  }
0x3f: {  	[sflag:s31] =	ssyncpa.u1 $0x1  }
0x40: {  	p0 =	sne.s32 s0, $0x0;
	_ =	strace $0x9000004D  }
0x41: {  	s0 =	sadd.s32 @!p0 $0x100000, s1;
	[bflag:$0x2] =	sbarrier.arrive $0xFFFF  }
0x42: {  	[sflag:s0] =	ssyncadd.tile.s32 @!p0 $0x1;
	_ =	shalt  }
.Lfunc_end1:
_tile_overlayer_lowered:
.L_overlay_start_2:
0x43: {  	(tag) =	ssettag $0x2  }
0x44: {  	s0 =	rddreg [dreg:$0x0];
	s2 =	stileid.u32  }
0x45: {  	s1 =	rddreg [dreg:$0x1];
	p0 =	sne.s32 s2, $0x0  }
0x46: {  	s3 =	rddreg [dreg:$0x2];
	[bflag:$0x3] =	sbarrier.arrive $0xFFFF;
	s2 =	simm.s32 @!p0 $0x1C01  }
0x47: {  	[timem:s3], [sflag:s2] =	dma.local @!p0 [hbm:s0], s1  }
0x48: {  	s0 =	simm.s32 @!p0 $0x1  }
0x49: {  	_ =	swait.ge @!p0 [sflag:s0], s1  }
0x4a: {  	s1 =	ssub.s32 @!p0 $0x0, s1;
	[sflag:s0] =	ssyncset.done @!p0 $0x0  }
0x4b: {  	[sflag:s0] =	ssyncadd.s32 @!p0 s1  }
0x4c: {  	[bflag:$0x3] =	sbarrier.arrive $0xFFFF  }
0x4d: {  	_ =	shalt  }

</sc_bundles>
